<compile_context>
chip_gen: v7x
topology: tpu7x:2x2x1
jax: 0.10.2.dev20260603
libtpu: 0.0.44.dev20260713+nightly
codegen_flags: <defaults>
</compile_context>

<pallas_src>
import functools

import jax
import jax.numpy as jnp
from jax import lax
from jax.experimental import pallas as pl
from jax.experimental.pallas import tpu as pltpu
from jax.experimental.pallas import tpu_sc as plsc

N = 10000
E = 320000
D_IN = 128
D_OUT = 300
G = 16

NC = 2
NS = 16
NW = NC * NS
EPT = E // NW
CH = 125
NCH = EPT // CH
NPH = 16
NP = NCH // NPH
RSTEP = 624
RSPAN = 640
DEGW = 16


@functools.lru_cache(maxsize=None)
def _sc_kernels():
    mesh = plsc.VectorSubcoreMesh(core_axis_name="c", subcore_axis_name="s",
                                  num_cores=NC, num_subcores=NS)

    @functools.partial(
        pl.kernel,
        out_type=jax.ShapeDtypeStruct((NC, N, DEGW), jnp.float32),
        mesh=mesh,
        scratch_types=[
            pltpu.VMEM((NCH, CH), jnp.int32),
            pltpu.VMEM((CH, DEGW), jnp.float32),
            pltpu.VMEM((40, DEGW), jnp.float32),
            pltpu.VMEM_SHARED((N, DEGW), jnp.float32),
            pltpu.SemaphoreType.DMA,
        ],
    )
    def _deg_kernel(dst_hbm, out_hbm, dst_v, ones_v, half_v, deg_sh, sem):
        c = lax.axis_index("c")
        s = lax.axis_index("s")
        w = s * NC + c
        r0 = s * RSTEP
        pltpu.sync_copy(dst_hbm.at[w], dst_v)

        def fill_ones(i, carry):
            ones_v[i, :] = jnp.full((DEGW,), 1.0, jnp.float32)
            return carry

        lax.fori_loop(0, CH, fill_ones, 0)

        def fill_half(i, carry):
            half_v[i, :] = jnp.full((DEGW,), 0.5, jnp.float32)
            return carry

        lax.fori_loop(0, 40, fill_half, 0)
        for k in range(RSPAN // 40):
            pltpu.sync_copy(half_v, deg_sh.at[pl.ds(r0 + 40 * k, 40)])
        plsc.subcore_barrier()

        def fire(j, carry):
            pltpu.async_copy(ones_v, deg_sh.at[dst_v.at[j]], sem, add=True)
            return carry

        lax.fori_loop(0, NCH, fire, 0)

        def drain(j, carry):
            pltpu.make_async_copy(ones_v, deg_sh.at[dst_v.at[j]], sem).wait()
            return carry

        lax.fori_loop(0, NCH, drain, 0)
        plsc.subcore_barrier()
        pltpu.sync_copy(deg_sh.at[pl.ds(r0, RSPAN)],
                        out_hbm.at[c].at[pl.ds(r0, RSPAN)])

    @functools.partial(
        pl.kernel,
        out_type=jax.ShapeDtypeStruct((NC, N, D_IN), jnp.float32),
        mesh=mesh,
        scratch_types=[
            pltpu.VMEM((NCH, CH), jnp.int32),
            pltpu.VMEM((2, NPH, CH), jnp.int32),
            pltpu.VMEM((CH, D_IN), jnp.float32),
            pltpu.VMEM((CH, D_IN), jnp.float32),
            pltpu.VMEM_SHARED((N, D_IN), jnp.float32),
            pltpu.SemaphoreType.DMA,
            pltpu.SemaphoreType.DMA,
            pltpu.SemaphoreType.DMA,
        ],
    )
    def _scatter_kernel(src_hbm, dst_hbm, y_hbm, yh_hbm, out_hbm,
                        src_v, dst_v, buf_a, buf_b, s_sh,
                        sem_a, sem_b, sem_d):
        c = lax.axis_index("c")
        s = lax.axis_index("s")
        w = s * NC + c
        r0 = s * RSTEP
        pltpu.sync_copy(src_hbm.at[w], src_v)
        pltpu.sync_copy(dst_hbm.at[w].at[pl.ds(0, NPH)], dst_v.at[0])
        pltpu.async_copy(dst_hbm.at[w].at[pl.ds(NPH, NPH)], dst_v.at[1],
                         sem_d)
        pltpu.sync_copy(yh_hbm.at[pl.ds(r0, RSPAN)], s_sh.at[pl.ds(r0, RSPAN)])
        plsc.subcore_barrier()

        pltpu.async_copy(y_hbm.at[src_v.at[0]], buf_a, sem_a)

        def body(jj, carry):
            j0 = 2 * jj
            j1 = j0 + 1
            p = j0 // NPH
            pb = lax.rem(p, 2)

            @pl.when(jnp.logical_and(lax.rem(j0, NPH) == 0, j0 > 0))
            def _phase():
                pltpu.make_async_copy(
                    dst_hbm.at[w].at[pl.ds(p * NPH, NPH)], dst_v.at[pb],
                    sem_d).wait()

                @pl.when(p + 1 < NP)
                def _pref():
                    pltpu.async_copy(
                        dst_hbm.at[w].at[pl.ds((p + 1) * NPH, NPH)],
                        dst_v.at[lax.rem(p + 1, 2)], sem_d)

            pltpu.async_copy(y_hbm.at[src_v.at[j1]], buf_b, sem_b)
            pltpu.make_async_copy(y_hbm.at[src_v.at[j0]], buf_a, sem_a).wait()
            pltpu.sync_copy(buf_a, s_sh.at[dst_v.at[pb, lax.rem(j0, NPH)]],
                            add=True)
            jn = jnp.minimum(j0 + 2, NCH - 1)
            pltpu.async_copy(y_hbm.at[src_v.at[jn]], buf_a, sem_a)
            pltpu.make_async_copy(y_hbm.at[src_v.at[j1]], buf_b, sem_b).wait()
            pltpu.sync_copy(buf_b, s_sh.at[dst_v.at[pb, lax.rem(j1, NPH)]],
                            add=True)
            return carry

        lax.fori_loop(0, NCH // 2, body, 0)
        pltpu.make_async_copy(y_hbm.at[src_v.at[NCH - 1]], buf_a, sem_a).wait()
        plsc.subcore_barrier()
        pltpu.sync_copy(s_sh.at[pl.ds(r0, RSPAN)],
                        out_hbm.at[c].at[pl.ds(r0, RSPAN)])

    return _deg_kernel, _scatter_kernel


_RB_Y = 1000


def _y_body(d0_ref, d1_ref, x_ref, y_ref, yh_ref):
    deg = d0_ref[0, :, 0:1] + d1_ref[0, :, 0:1]
    dinv = lax.rsqrt(deg)
    y = x_ref[...] * dinv
    y_ref[...] = y
    yh_ref[...] = y * 0.5


_y_kernel = pl.pallas_call(
    _y_body,
    grid=(N // _RB_Y,),
    in_specs=[
        pl.BlockSpec((1, _RB_Y, DEGW), lambda i: (0, i, 0)),
        pl.BlockSpec((1, _RB_Y, DEGW), lambda i: (1, i, 0)),
        pl.BlockSpec((_RB_Y, D_IN), lambda i: (i, 0)),
    ],
    out_specs=[
        pl.BlockSpec((_RB_Y, D_IN), lambda i: (i, 0)),
        pl.BlockSpec((_RB_Y, D_IN), lambda i: (i, 0)),
    ],
    out_shape=[
        jax.ShapeDtypeStruct((N, D_IN), jnp.float32),
        jax.ShapeDtypeStruct((N, D_IN), jnp.float32),
    ],
)


_RB = 1000
_NB = N // _RB


def _final_body(d0_ref, d1_ref, s0_ref, s1_ref, batch_ref, w_ref, b_ref,
                h_ref, ge_ref, cnt_scr):
    i = pl.program_id(0)
    deg = d0_ref[0, :, 0:1] + d1_ref[0, :, 0:1]
    dinv = lax.rsqrt(deg)
    agg = (s0_ref[0] + s1_ref[0]) * dinv
    h = jnp.maximum(
        lax.dot_general(agg, w_ref[...], (((1,), (0,)), ((), ())),
                        precision=lax.Precision.HIGHEST,
                        preferred_element_type=jnp.float32) + b_ref[...],
        0.0)
    h_ref[...] = h

    oh = (lax.broadcasted_iota(jnp.int32, (G, _RB), 0)
          == batch_ref[0, 0:1, :]).astype(jnp.float32)
    part = lax.dot_general(oh, h, (((1,), (0,)), ((), ())),
                           precision=lax.Precision.HIGHEST,
                           preferred_element_type=jnp.float32)
    cpart = jnp.broadcast_to(jnp.sum(oh, axis=1, keepdims=True), (G, 128))

    @pl.when(i == 0)
    def _init():
        ge_ref[...] = jnp.zeros_like(ge_ref)
        cnt_scr[...] = jnp.zeros_like(cnt_scr)

    ge_ref[...] += part
    cnt_scr[...] += cpart

    @pl.when(i == _NB - 1)
    def _fin():
        ge_ref[...] = ge_ref[...] / jnp.maximum(cnt_scr[:, 0:1], 1.0)


_final_kernel = pl.pallas_call(
    _final_body,
    grid=(_NB,),
    in_specs=[
        pl.BlockSpec((1, _RB, DEGW), lambda i: (0, i, 0)),
        pl.BlockSpec((1, _RB, DEGW), lambda i: (1, i, 0)),
        pl.BlockSpec((1, _RB, D_IN), lambda i: (0, i, 0)),
        pl.BlockSpec((1, _RB, D_IN), lambda i: (1, i, 0)),
        pl.BlockSpec((1, 1, _RB), lambda i: (i, 0, 0)),
        pl.BlockSpec((D_IN, D_OUT), lambda i: (0, 0)),
        pl.BlockSpec((1, D_OUT), lambda i: (0, 0)),
    ],
    out_specs=[
        pl.BlockSpec((_RB, D_OUT), lambda i: (i, 0)),
        pl.BlockSpec((G, D_OUT), lambda i: (0, 0)),
    ],
    out_shape=[
        jax.ShapeDtypeStruct((N, D_OUT), jnp.float32),
        jax.ShapeDtypeStruct((G, D_OUT), jnp.float32),
    ],
    scratch_shapes=[pltpu.VMEM((G, 128), jnp.float32)],
)


def kernel(x, edge_index, batch, W, b):
    src3 = edge_index[0].reshape(NW, NCH, CH)
    dst3 = edge_index[1].reshape(NW, NCH, CH)
    deg_kernel, scatter_kernel = _sc_kernels()
    degp = deg_kernel(dst3)
    y, yh = _y_kernel(degp, degp, x)
    sp = scatter_kernel(src3, dst3, y, yh)
    h, ge = _final_kernel(degp, degp, sp, sp,
                          batch.reshape(_NB, 1, _RB), W, b.reshape(1, D_OUT))
    return (h, ge)

# --- scband reference (transcript-rebuilt; emitter-appended) ---
"""Pipeline reference for scband-protein-encoder-32143535243777 (READ-ONLY COPY).

The authoritative reference and input builder live on the scoring server;
editing this copy changes nothing except your own understanding.
"""

import jax, jax.numpy as jnp
import numpy as np

N = 10000
E = 320000
D_IN = 128
D_OUT = 300
G = 16


def setup_inputs(seed: int = 0) -> dict:
    key = jax.random.key(seed)
    k1, k2, k3, k4 = jax.random.split(key, 4)
    x = jax.random.normal(k1, (N, D_IN), dtype=jnp.float32)
    edge_index = jax.random.randint(k2, (2, E), 0, N, dtype=jnp.int32)
    batch = jnp.sort(jax.random.randint(k3, (N,), 0, G, dtype=jnp.int32))
    # GCNConv learned params (glorot-ish init), W: [in, out], b: [out]
    W = jax.random.normal(k4, (D_IN, D_OUT), dtype=jnp.float32) * (1.0 / np.sqrt(D_IN))
    b = jnp.zeros((D_OUT,), dtype=jnp.float32)
    return {"x": x, "edge_index": edge_index, "batch": batch, "W": W, "b": b}


def _gcn_conv(x, edge_index, W, b, num_nodes):
    # PyG GCNConv with add_self_loops=True, symmetric normalization, bias.
    src = edge_index[0]
    dst = edge_index[1]
    loop = jnp.arange(num_nodes, dtype=src.dtype)
    src = jnp.concatenate([src, loop])
    dst = jnp.concatenate([dst, loop])
    ones = jnp.ones(dst.shape, dtype=x.dtype)
    deg = jax.ops.segment_sum(ones, dst, num_segments=num_nodes)
    dinv = jnp.where(deg > 0, deg ** -0.5, 0.0)
    norm = dinv[src] * dinv[dst]
    h = x @ W                      # [N, D_OUT]
    msgs = h[src] * norm[:, None]  # gather on src
    out = jax.ops.segment_sum(msgs, dst, num_segments=num_nodes)  # scatter-add on dst
    return out + b


def reference(x, edge_index, batch, W, b):
    # dropout p=0.0 (eval-equivalent) -> identity; pertubed=False
    h = jax.nn.relu(_gcn_conv(x, edge_index, W, b, N))
    # per-graph mean pooling (equivalent to the mask/mean loop in torch)
    counts = jax.ops.segment_sum(jnp.ones((N,), dtype=h.dtype), batch, num_segments=G)
    sums = jax.ops.segment_sum(h, batch, num_segments=G)
    graph_embeddings = sums / jnp.maximum(counts, 1.0)[:, None]
    # node_embeddings_list concatenated == h (batch ids are sorted)
    return (h, graph_embeddings)

if __name__ == "__main__":
    import jax
    _d = setup_inputs()
    print(jax.jit(kernel)(*tuple(_d.values())))

</pallas_src>

<mosaic_0001>
#map = affine_map<(d0, d1) -> (0, 0, 0)>
#map1 = affine_map<(d0, d1) -> (0, 0)>
module attributes {stable_mosaic.version = 14 : i64} {
  func.func @_scatter_kernel(%arg0: i32, %arg1: i32, %arg2: memref<32x80x125xi32, #tpu.memory_space<hbm>>, %arg3: memref<32x80x125xi32, #tpu.memory_space<hbm>>, %arg4: memref<10000x128xf32, #tpu.memory_space<hbm>>, %arg5: memref<10000x128xf32, #tpu.memory_space<hbm>>, %arg6: memref<2x10000x128xf32, #tpu.memory_space<hbm>>, %arg7: memref<80x125xi32, #tpu.memory_space<vmem>>, %arg8: memref<2x16x125xi32, #tpu.memory_space<vmem>>, %arg9: memref<125x128xf32, #tpu.memory_space<vmem>>, %arg10: memref<125x128xf32, #tpu.memory_space<vmem>>, %arg11: memref<10000x128xf32, #tpu.memory_space<vmem_shared>>, %arg12: memref<!tpu.dma_semaphore, #tpu.memory_space<semaphore_mem>>, %arg13: memref<!tpu.dma_semaphore, #tpu.memory_space<semaphore_mem>>, %arg14: memref<!tpu.dma_semaphore, #tpu.memory_space<semaphore_mem>>) attributes {dimension_semantics = [#tpu.dimension_semantics<core_parallel>, #tpu.dimension_semantics<subcore_parallel>], iteration_bounds = array<i64: 2, 16>, scalar_prefetch = 0 : i64, scratch_operands = 8 : i64, tpu.core_type = #tpu.core_type<sc_vector_subcore>, window_params = [{transform_indices = #map}, {transform_indices = #map}, {transform_indices = #map1}, {transform_indices = #map1}, {transform_indices = #map}]} {
    %mul3A = arith.constant 2 : i32
    %mul3A_0 = arith.muli %arg1, %mul3A : i32
    %add3A = arith.addi %mul3A_0, %arg0 : i32
    %mul3A_1 = arith.constant 624 : i32
    %mul3A_2 = arith.muli %arg1, %mul3A_1 : i32
    "tpu.region"() ({
      %run_scoped3A_44 = tpu.sem_alloc : memref<!tpu.dma_semaphore, #tpu.memory_space<semaphore_mem>>
      %dma_start3A_45 = arith.constant 0 : i32
      %dma_start3A_46 = arith.constant 0 : i32
      %dma_start3A_47 = tpu.memref_slice %arg2[%add3A, %dma_start3A_45, %dma_start3A_46] : memref<32x80x125xi32, #tpu.memory_space<hbm>> -> memref<1x80x125xi32, #tpu.memory_space<hbm>>
      %dma_start3A_48 = tpu.memref_squeeze %dma_start3A_47 : memref<1x80x125xi32, #tpu.memory_space<hbm>> -> memref<80x125xi32, #tpu.memory_space<hbm>>
      %dma_start3A_49 = arith.constant 0 : i32
      %dma_start3A_50 = arith.constant 0 : i32
      %dma_start3A_51 = tpu.memref_slice %arg2[%add3A, %dma_start3A_49, %dma_start3A_50] : memref<32x80x125xi32, #tpu.memory_space<hbm>> -> memref<1x80x125xi32, #tpu.memory_space<hbm>>
      %dma_start3A_52 = tpu.memref_squeeze %dma_start3A_51 : memref<1x80x125xi32, #tpu.memory_space<hbm>> -> memref<80x125xi32, #tpu.memory_space<hbm>>
      tpu.enqueue_dma source(%dma_start3A_52 : memref<80x125xi32, #tpu.memory_space<hbm>>) target(%arg7 : memref<80x125xi32, #tpu.memory_space<vmem>>) target_semaphore(%run_scoped3A_44 : memref<!tpu.dma_semaphore, #tpu.memory_space<semaphore_mem>>)
      %dma_wait3A_53 = arith.constant 0 : i32
      %dma_wait3A_54 = arith.constant 0 : i32
      %dma_wait3A_55 = tpu.memref_slice %arg2[%add3A, %dma_wait3A_53, %dma_wait3A_54] : memref<32x80x125xi32, #tpu.memory_space<hbm>> -> memref<1x80x125xi32, #tpu.memory_space<hbm>>
      %dma_wait3A_56 = tpu.memref_squeeze %dma_wait3A_55 : memref<1x80x125xi32, #tpu.memory_space<hbm>> -> memref<80x125xi32, #tpu.memory_space<hbm>>
      %dma_wait3A_57 = arith.constant 0 : i32
      %dma_wait3A_58 = arith.constant 0 : i32
      %dma_wait3A_59 = tpu.memref_slice %arg2[%add3A, %dma_wait3A_57, %dma_wait3A_58] : memref<32x80x125xi32, #tpu.memory_space<hbm>> -> memref<1x80x125xi32, #tpu.memory_space<hbm>>
      %dma_wait3A_60 = tpu.memref_squeeze %dma_wait3A_59 : memref<1x80x125xi32, #tpu.memory_space<hbm>> -> memref<80x125xi32, #tpu.memory_space<hbm>>
      tpu.wait_dma2 semaphore(%run_scoped3A_44 : memref<!tpu.dma_semaphore, #tpu.memory_space<semaphore_mem>>) src(%dma_wait3A_60 : memref<80x125xi32, #tpu.memory_space<hbm>>) dst(%arg7 : memref<80x125xi32, #tpu.memory_space<vmem>>)
      tpu.yield
    }) : () -> ()
    %run_scoped3A = arith.constant 0 : i32
    "tpu.region"() ({
      %run_scoped3A_44 = tpu.sem_alloc : memref<!tpu.dma_semaphore, #tpu.memory_space<semaphore_mem>>
      %dma_start3A_45 = arith.constant 0 : i32
      %dma_start3A_46 = arith.constant 0 : i32
      %dma_start3A_47 = tpu.memref_slice %arg8[%run_scoped3A, %dma_start3A_45, %dma_start3A_46] : memref<2x16x125xi32, #tpu.memory_space<vmem>> -> memref<1x16x125xi32, #tpu.memory_space<vmem>>
      %dma_start3A_48 = tpu.memref_squeeze %dma_start3A_47 : memref<1x16x125xi32, #tpu.memory_space<vmem>> -> memref<16x125xi32, #tpu.memory_space<vmem>>
      %dma_start3A_49 = arith.constant 0 : i32
      %dma_start3A_50 = arith.constant 0 : i32
      %dma_start3A_51 = tpu.memref_slice %arg3[%add3A, %dma_start3A_49, %dma_start3A_50] : memref<32x80x125xi32, #tpu.memory_space<hbm>> -> memref<1x80x125xi32, #tpu.memory_space<hbm>>
      %dma_start3A_52 = tpu.memref_squeeze %dma_start3A_51 : memref<1x80x125xi32, #tpu.memory_space<hbm>> -> memref<80x125xi32, #tpu.memory_space<hbm>>
      %dma_start3A_53 = arith.constant 0 : i32
      %dma_start3A_54 = arith.constant 0 : i32
      %dma_start3A_55 = tpu.memref_slice %dma_start3A_52[%dma_start3A_53, %dma_start3A_54] : memref<80x125xi32, #tpu.memory_space<hbm>> -> memref<16x125xi32, #tpu.memory_space<hbm>>
      %dma_start3A_56 = arith.constant 0 : i32
      %dma_start3A_57 = arith.constant 0 : i32
      %dma_start3A_58 = tpu.memref_slice %arg8[%run_scoped3A, %dma_start3A_56, %dma_start3A_57] : memref<2x16x125xi32, #tpu.memory_space<vmem>> -> memref<1x16x125xi32, #tpu.memory_space<vmem>>
      %dma_start3A_59 = tpu.memref_squeeze %dma_start3A_58 : memref<1x16x125xi32, #tpu.memory_space<vmem>> -> memref<16x125xi32, #tpu.memory_space<vmem>>
      %dma_start3A_60 = arith.constant 0 : i32
      %dma_start3A_61 = arith.constant 0 : i32
      %dma_start3A_62 = tpu.memref_slice %arg3[%add3A, %dma_start3A_60, %dma_start3A_61] : memref<32x80x125xi32, #tpu.memory_space<hbm>> -> memref<1x80x125xi32, #tpu.memory_space<hbm>>
      %dma_start3A_63 = tpu.memref_squeeze %dma_start3A_62 : memref<1x80x125xi32, #tpu.memory_space<hbm>> -> memref<80x125xi32, #tpu.memory_space<hbm>>
      %dma_start3A_64 = arith.constant 0 : i32
      %dma_start3A_65 = arith.constant 0 : i32
      %dma_start3A_66 = tpu.memref_slice %dma_start3A_63[%dma_start3A_64, %dma_start3A_65] : memref<80x125xi32, #tpu.memory_space<hbm>> -> memref<16x125xi32, #tpu.memory_space<hbm>>
      tpu.enqueue_dma source(%dma_start3A_66 : memref<16x125xi32, #tpu.memory_space<hbm>>) target(%dma_start3A_59 : memref<16x125xi32, #tpu.memory_space<vmem>>) target_semaphore(%run_scoped3A_44 : memref<!tpu.dma_semaphore, #tpu.memory_space<semaphore_mem>>)
      %dma_wait3A_67 = arith.constant 0 : i32
      %dma_wait3A_68 = arith.constant 0 : i32
      %dma_wait3A_69 = tpu.memref_slice %arg8[%run_scoped3A, %dma_wait3A_67, %dma_wait3A_68] : memref<2x16x125xi32, #tpu.memory_space<vmem>> -> memref<1x16x125xi32, #tpu.memory_space<vmem>>
      %dma_wait3A_70 = tpu.memref_squeeze %dma_wait3A_69 : memref<1x16x125xi32, #tpu.memory_space<vmem>> -> memref<16x125xi32, #tpu.memory_space<vmem>>
      %dma_wait3A_71 = arith.constant 0 : i32
      %dma_wait3A_72 = arith.constant 0 : i32
      %dma_wait3A_73 = tpu.memref_slice %arg3[%add3A, %dma_wait3A_71, %dma_wait3A_72] : memref<32x80x125xi32, #tpu.memory_space<hbm>> -> memref<1x80x125xi32, #tpu.memory_space<hbm>>
      %dma_wait3A_74 = tpu.memref_squeeze %dma_wait3A_73 : memref<1x80x125xi32, #tpu.memory_space<hbm>> -> memref<80x125xi32, #tpu.memory_space<hbm>>
      %dma_wait3A_75 = arith.constant 0 : i32
      %dma_wait3A_76 = arith.constant 0 : i32
      %dma_wait3A_77 = tpu.memref_slice %dma_wait3A_74[%dma_wait3A_75, %dma_wait3A_76] : memref<80x125xi32, #tpu.memory_space<hbm>> -> memref<16x125xi32, #tpu.memory_space<hbm>>
      %dma_wait3A_78 = arith.constant 0 : i32
      %dma_wait3A_79 = arith.constant 0 : i32
      %dma_wait3A_80 = tpu.memref_slice %arg8[%run_scoped3A, %dma_wait3A_78, %dma_wait3A_79] : memref<2x16x125xi32, #tpu.memory_space<vmem>> -> memref<1x16x125xi32, #tpu.memory_space<vmem>>
      %dma_wait3A_81 = tpu.memref_squeeze %dma_wait3A_80 : memref<1x16x125xi32, #tpu.memory_space<vmem>> -> memref<16x125xi32, #tpu.memory_space<vmem>>
      %dma_wait3A_82 = arith.constant 0 : i32
      %dma_wait3A_83 = arith.constant 0 : i32
      %dma_wait3A_84 = tpu.memref_slice %arg3[%add3A, %dma_wait3A_82, %dma_wait3A_83] : memref<32x80x125xi32, #tpu.memory_space<hbm>> -> memref<1x80x125xi32, #tpu.memory_space<hbm>>
      %dma_wait3A_85 = tpu.memref_squeeze %dma_wait3A_84 : memref<1x80x125xi32, #tpu.memory_space<hbm>> -> memref<80x125xi32, #tpu.memory_space<hbm>>
      %dma_wait3A_86 = arith.constant 0 : i32
      %dma_wait3A_87 = arith.constant 0 : i32
      %dma_wait3A_88 = tpu.memref_slice %dma_wait3A_85[%dma_wait3A_86, %dma_wait3A_87] : memref<80x125xi32, #tpu.memory_space<hbm>> -> memref<16x125xi32, #tpu.memory_space<hbm>>
      tpu.wait_dma2 semaphore(%run_scoped3A_44 : memref<!tpu.dma_semaphore, #tpu.memory_space<semaphore_mem>>) src(%dma_wait3A_88 : memref<16x125xi32, #tpu.memory_space<hbm>>) dst(%dma_wait3A_81 : memref<16x125xi32, #tpu.memory_space<vmem>>)
      tpu.yield
    }) : () -> ()
    %dma_start3A = arith.constant 1 : i32
    %dma_start3A_3 = arith.constant 0 : i32
    %dma_start3A_4 = arith.constant 0 : i32
    %dma_start3A_5 = tpu.memref_slice %arg8[%dma_start3A, %dma_start3A_3, %dma_start3A_4] : memref<2x16x125xi32, #tpu.memory_space<vmem>> -> memref<1x16x125xi32, #tpu.memory_space<vmem>>
    %dma_start3A_6 = tpu.memref_squeeze %dma_start3A_5 : memref<1x16x125xi32, #tpu.memory_space<vmem>> -> memref<16x125xi32, #tpu.memory_space<vmem>>
    %dma_start3A_7 = arith.constant 0 : i32
    %dma_start3A_8 = arith.constant 0 : i32
    %dma_start3A_9 = tpu.memref_slice %arg3[%add3A, %dma_start3A_7, %dma_start3A_8] : memref<32x80x125xi32, #tpu.memory_space<hbm>> -> memref<1x80x125xi32, #tpu.memory_space<hbm>>
    %dma_start3A_10 = tpu.memref_squeeze %dma_start3A_9 : memref<1x80x125xi32, #tpu.memory_space<hbm>> -> memref<80x125xi32, #tpu.memory_space<hbm>>
    %dma_start3A_11 = arith.constant 16 : i32
    %dma_start3A_12 = arith.constant 0 : i32
    %dma_start3A_13 = tpu.memref_slice %dma_start3A_10[%dma_start3A_11, %dma_start3A_12] : memref<80x125xi32, #tpu.memory_space<hbm>> -> memref<16x125xi32, #tpu.memory_space<hbm>>
    %dma_start3A_14 = arith.constant 0 : i32
    %dma_start3A_15 = arith.constant 0 : i32
    %dma_start3A_16 = tpu.memref_slice %arg8[%dma_start3A, %dma_start3A_14, %dma_start3A_15] : memref<2x16x125xi32, #tpu.memory_space<vmem>> -> memref<1x16x125xi32, #tpu.memory_space<vmem>>
    %dma_start3A_17 = tpu.memref_squeeze %dma_start3A_16 : memref<1x16x125xi32, #tpu.memory_space<vmem>> -> memref<16x125xi32, #tpu.memory_space<vmem>>
    %dma_start3A_18 = arith.constant 0 : i32
    %dma_start3A_19 = arith.constant 0 : i32
    %dma_start3A_20 = tpu.memref_slice %arg3[%add3A, %dma_start3A_18, %dma_start3A_19] : memref<32x80x125xi32, #tpu.memory_space<hbm>> -> memref<1x80x125xi32, #tpu.memory_space<hbm>>
    %dma_start3A_21 = tpu.memref_squeeze %dma_start3A_20 : memref<1x80x125xi32, #tpu.memory_space<hbm>> -> memref<80x125xi32, #tpu.memory_space<hbm>>
    %dma_start3A_22 = arith.constant 16 : i32
    %dma_start3A_23 = arith.constant 0 : i32
    %dma_start3A_24 = tpu.memref_slice %dma_start3A_21[%dma_start3A_22, %dma_start3A_23] : memref<80x125xi32, #tpu.memory_space<hbm>> -> memref<16x125xi32, #tpu.memory_space<hbm>>
    tpu.enqueue_dma source(%dma_start3A_24 : memref<16x125xi32, #tpu.memory_space<hbm>>) target(%dma_start3A_17 : memref<16x125xi32, #tpu.memory_space<vmem>>) target_semaphore(%arg14 : memref<!tpu.dma_semaphore, #tpu.memory_space<semaphore_mem>>)
    "tpu.region"() ({
      %run_scoped3A_44 = tpu.sem_alloc : memref<!tpu.dma_semaphore, #tpu.memory_space<semaphore_mem>>
      %dma_start3A_45 = arith.constant 0 : i32
      %dma_start3A_46 = tpu.memref_slice %arg11[%mul3A_2, %dma_start3A_45] : memref<10000x128xf32, #tpu.memory_space<vmem_shared>> -> memref<640x128xf32, #tpu.memory_space<vmem_shared>>
      %dma_start3A_47 = arith.constant 0 : i32
      %dma_start3A_48 = tpu.memref_slice %arg5[%mul3A_2, %dma_start3A_47] : memref<10000x128xf32, #tpu.memory_space<hbm>> -> memref<640x128xf32, #tpu.memory_space<hbm>>
      tpu.enqueue_dma source(%dma_start3A_48 : memref<640x128xf32, #tpu.memory_space<hbm>>) target(%dma_start3A_46 : memref<640x128xf32, #tpu.memory_space<vmem_shared>>) target_semaphore(%run_scoped3A_44 : memref<!tpu.dma_semaphore, #tpu.memory_space<semaphore_mem>>)
      %dma_wait3A_49 = arith.constant 0 : i32
      %dma_wait3A_50 = tpu.memref_slice %arg11[%mul3A_2, %dma_wait3A_49] : memref<10000x128xf32, #tpu.memory_space<vmem_shared>> -> memref<640x128xf32, #tpu.memory_space<vmem_shared>>
      %dma_wait3A_51 = arith.constant 0 : i32
      %dma_wait3A_52 = tpu.memref_slice %arg5[%mul3A_2, %dma_wait3A_51] : memref<10000x128xf32, #tpu.memory_space<hbm>> -> memref<640x128xf32, #tpu.memory_space<hbm>>
      tpu.wait_dma2 semaphore(%run_scoped3A_44 : memref<!tpu.dma_semaphore, #tpu.memory_space<semaphore_mem>>) src(%dma_wait3A_52 : memref<640x128xf32, #tpu.memory_space<hbm>>) dst(%dma_wait3A_50 : memref<640x128xf32, #tpu.memory_space<vmem_shared>>)
      tpu.yield
    }) : () -> ()
    %barrier3A = arith.constant 0 : index
    tpu.barrier barrier_id(%barrier3A)
    %dma_start3A_25 = arith.constant 0 : i32
    %dma_start3A_26 = arith.constant 0 : i32
    %dma_start3A_27 = tpu.memref_slice %arg7[%dma_start3A_25, %dma_start3A_26] : memref<80x125xi32, #tpu.memory_space<vmem>> -> memref<1x125xi32, #tpu.memory_space<vmem>>
    %dma_start3A_28 = tpu.memref_squeeze %dma_start3A_27 : memref<1x125xi32, #tpu.memory_space<vmem>> -> memref<125xi32, #tpu.memory_space<vmem>>
    %dma_start3A_29 = arith.constant 0 : i32
    %dma_start3A_30 = arith.constant 0 : i32
    %dma_start3A_31 = tpu.memref_slice %arg4[%dma_start3A_29, %dma_start3A_30] : memref<10000x128xf32, #tpu.memory_space<hbm>> -> memref<10000x128xf32, #tpu.memory_space<hbm>>
    tpu.enqueue_indirect_dma source(%dma_start3A_31 : memref<10000x128xf32, #tpu.memory_space<hbm>>) target(%arg9 : memref<125x128xf32, #tpu.memory_space<vmem>>) offsets(%dma_start3A_28 : memref<125xi32, #tpu.memory_space<vmem>>) semaphore(%arg12 : memref<!tpu.dma_semaphore, #tpu.memory_space<semaphore_mem>>)
    %scan3A = arith.constant 0 : i32
    %scan3A_32 = arith.constant 0 : i32
    %scan3A_33 = arith.constant 40 : i32
    %scan3A_34 = arith.addi %scan3A_32, %scan3A_33 : i32
    %scan3A_35 = arith.constant 1 : i32
    scf.for %scan3A_44 = %scan3A_32 to %scan3A_34 step %scan3A_35  : i32 {
      %mul3A_45 = arith.constant 2 : i32
      %mul3A_46 = arith.muli %mul3A_45, %scan3A_44 : i32
      %add3A_47 = arith.constant 1 : i32
      %add3A_48 = arith.addi %mul3A_46, %add3A_47 : i32
      %jit3A = arith.constant 16 : i32
      %div3A = arith.divsi %mul3A_46, %jit3A : i32
      %sign3A = arith.constant 0 : i32
      %sign3A_49 = arith.cmpi sgt, %mul3A_46, %sign3A : i32
      %sign3A_50 = arith.extui %sign3A_49 : i1 to i32
      %sign3A_51 = arith.constant 0 : i32
      %sign3A_52 = arith.cmpi slt, %mul3A_46, %sign3A_51 : i32
      %sign3A_53 = arith.extui %sign3A_52 : i1 to i32
      %sign3A_54 = arith.subi %sign3A_50, %sign3A_53 : i32
      %sign3A_55 = arith.constant 0 : i32
      %sign3A_56 = arith.cmpi sgt, %jit3A, %sign3A_55 : i32
      %sign3A_57 = arith.extui %sign3A_56 : i1 to i32
      %sign3A_58 = arith.constant 0 : i32
      %sign3A_59 = arith.cmpi slt, %jit3A, %sign3A_58 : i32
      %sign3A_60 = arith.extui %sign3A_59 : i1 to i32
      %sign3A_61 = arith.subi %sign3A_57, %sign3A_60 : i32
      %ne3A = arith.cmpi ne, %sign3A_54, %sign3A_61 : i32
      %rem3A = arith.remsi %mul3A_46, %jit3A : i32
      %ne3A_62 = arith.constant 0 : i32
      %ne3A_63 = arith.cmpi ne, %rem3A, %ne3A_62 : i32
      %and3A = arith.andi %ne3A, %ne3A_63 : i1
      %sub3A = arith.constant 1 : i32
      %sub3A_64 = arith.subi %div3A, %sub3A : i32
      %select_n3A = arith.select %and3A, %sub3A_64, %div3A : i32
      %rem3A_65 = arith.constant 2 : i32
      %rem3A_66 = arith.remsi %select_n3A, %rem3A_65 : i32
      %rem3A_67 = arith.constant 16 : i32
      %rem3A_68 = arith.remsi %mul3A_46, %rem3A_67 : i32
      %eq3A = arith.constant 0 : i32
      %eq3A_69 = arith.cmpi eq, %rem3A_68, %eq3A : i32
      %gt3A = arith.constant 0 : i32
      %gt3A_70 = arith.cmpi sgt, %mul3A_46, %gt3A : i32
      %and3A_71 = arith.andi %eq3A_69, %gt3A_70 : i1
      %convert_element_type3A = arith.extui %and3A_71 : i1 to i32
      %cond3A = arith.constant 0 : i32
      %cond3A_72 = arith.cmpi ne, %convert_element_type3A, %cond3A : i32
      scf.if %cond3A_72 {
        %mul3A_104 = arith.constant 16 : i32
        %mul3A_105 = arith.muli %select_n3A, %mul3A_104 : i32
        %dma_wait3A_106 = arith.constant 0 : i32
        %dma_wait3A_107 = arith.constant 0 : i32
        %dma_wait3A_108 = tpu.memref_slice %arg8[%rem3A_66, %dma_wait3A_106, %dma_wait3A_107] : memref<2x16x125xi32, #tpu.memory_space<vmem>> -> memref<1x16x125xi32, #tpu.memory_space<vmem>>
        %dma_wait3A_109 = tpu.memref_squeeze %dma_wait3A_108 : memref<1x16x125xi32, #tpu.memory_space<vmem>> -> memref<16x125xi32, #tpu.memory_space<vmem>>
        %dma_wait3A_110 = arith.constant 0 : i32
        %dma_wait3A_111 = arith.constant 0 : i32
        %dma_wait3A_112 = tpu.memref_slice %arg3[%add3A, %dma_wait3A_110, %dma_wait3A_111] : memref<32x80x125xi32, #tpu.memory_space<hbm>> -> memref<1x80x125xi32, #tpu.memory_space<hbm>>
        %dma_wait3A_113 = tpu.memref_squeeze %dma_wait3A_112 : memref<1x80x125xi32, #tpu.memory_space<hbm>> -> memref<80x125xi32, #tpu.memory_space<hbm>>
        %dma_wait3A_114 = arith.constant 0 : i32
        %dma_wait3A_115 = tpu.memref_slice %dma_wait3A_113[%mul3A_105, %dma_wait3A_114] : memref<80x125xi32, #tpu.memory_space<hbm>> -> memref<16x125xi32, #tpu.memory_space<hbm>>
        %dma_wait3A_116 = arith.constant 0 : i32
        %dma_wait3A_117 = arith.constant 0 : i32
        %dma_wait3A_118 = tpu.memref_slice %arg8[%rem3A_66, %dma_wait3A_116, %dma_wait3A_117] : memref<2x16x125xi32, #tpu.memory_space<vmem>> -> memref<1x16x125xi32, #tpu.memory_space<vmem>>
        %dma_wait3A_119 = tpu.memref_squeeze %dma_wait3A_118 : memref<1x16x125xi32, #tpu.memory_space<vmem>> -> memref<16x125xi32, #tpu.memory_space<vmem>>
        %dma_wait3A_120 = arith.constant 0 : i32
        %dma_wait3A_121 = arith.constant 0 : i32
        %dma_wait3A_122 = tpu.memref_slice %arg3[%add3A, %dma_wait3A_120, %dma_wait3A_121] : memref<32x80x125xi32, #tpu.memory_space<hbm>> -> memref<1x80x125xi32, #tpu.memory_space<hbm>>
        %dma_wait3A_123 = tpu.memref_squeeze %dma_wait3A_122 : memref<1x80x125xi32, #tpu.memory_space<hbm>> -> memref<80x125xi32, #tpu.memory_space<hbm>>
        %dma_wait3A_124 = arith.constant 0 : i32
        %dma_wait3A_125 = tpu.memref_slice %dma_wait3A_123[%mul3A_105, %dma_wait3A_124] : memref<80x125xi32, #tpu.memory_space<hbm>> -> memref<16x125xi32, #tpu.memory_space<hbm>>
        tpu.wait_dma2 semaphore(%arg14 : memref<!tpu.dma_semaphore, #tpu.memory_space<semaphore_mem>>) src(%dma_wait3A_125 : memref<16x125xi32, #tpu.memory_space<hbm>>) dst(%dma_wait3A_119 : memref<16x125xi32, #tpu.memory_space<vmem>>)
        %add3A_126 = arith.constant 1 : i32
        %add3A_127 = arith.addi %select_n3A, %add3A_126 : i32
        %lt3A = arith.constant 5 : i32
        %lt3A_128 = arith.cmpi slt, %add3A_127, %lt3A : i32
        %convert_element_type3A_129 = arith.extui %lt3A_128 : i1 to i32
        %cond3A_130 = arith.constant 0 : i32
        %cond3A_131 = arith.cmpi ne, %convert_element_type3A_129, %cond3A_130 : i32
        scf.if %cond3A_131 {
          %add3A_132 = arith.constant 1 : i32
          %add3A_133 = arith.addi %select_n3A, %add3A_132 : i32
          %mul3A_134 = arith.constant 16 : i32
          %mul3A_135 = arith.muli %add3A_133, %mul3A_134 : i32
          %add3A_136 = arith.constant 1 : i32
          %add3A_137 = arith.addi %select_n3A, %add3A_136 : i32
          %rem3A_138 = arith.constant 2 : i32
          %rem3A_139 = arith.remsi %add3A_137, %rem3A_138 : i32
          %dma_start3A_140 = arith.constant 0 : i32
          %dma_start3A_141 = arith.constant 0 : i32
          %dma_start3A_142 = tpu.memref_slice %arg8[%rem3A_139, %dma_start3A_140, %dma_start3A_141] : memref<2x16x125xi32, #tpu.memory_space<vmem>> -> memref<1x16x125xi32, #tpu.memory_space<vmem>>
          %dma_start3A_143 = tpu.memref_squeeze %dma_start3A_142 : memref<1x16x125xi32, #tpu.memory_space<vmem>> -> memref<16x125xi32, #tpu.memory_space<vmem>>
          %dma_start3A_144 = arith.constant 0 : i32
          %dma_start3A_145 = arith.constant 0 : i32
          %dma_start3A_146 = tpu.memref_slice %arg3[%add3A, %dma_start3A_144, %dma_start3A_145] : memref<32x80x125xi32, #tpu.memory_space<hbm>> -> memref<1x80x125xi32, #tpu.memory_space<hbm>>
          %dma_start3A_147 = tpu.memref_squeeze %dma_start3A_146 : memref<1x80x125xi32, #tpu.memory_space<hbm>> -> memref<80x125xi32, #tpu.memory_space<hbm>>
          %dma_start3A_148 = arith.constant 0 : i32
          %dma_start3A_149 = tpu.memref_slice %dma_start3A_147[%mul3A_135, %dma_start3A_148] : memref<80x125xi32, #tpu.memory_space<hbm>> -> memref<16x125xi32, #tpu.memory_space<hbm>>
          %dma_start3A_150 = arith.constant 0 : i32
          %dma_start3A_151 = arith.constant 0 : i32
          %dma_start3A_152 = tpu.memref_slice %arg8[%rem3A_139, %dma_start3A_150, %dma_start3A_151] : memref<2x16x125xi32, #tpu.memory_space<vmem>> -> memref<1x16x125xi32, #tpu.memory_space<vmem>>
          %dma_start3A_153 = tpu.memref_squeeze %dma_start3A_152 : memref<1x16x125xi32, #tpu.memory_space<vmem>> -> memref<16x125xi32, #tpu.memory_space<vmem>>
          %dma_start3A_154 = arith.constant 0 : i32
          %dma_start3A_155 = arith.constant 0 : i32
          %dma_start3A_156 = tpu.memref_slice %arg3[%add3A, %dma_start3A_154, %dma_start3A_155] : memref<32x80x125xi32, #tpu.memory_space<hbm>> -> memref<1x80x125xi32, #tpu.memory_space<hbm>>
          %dma_start3A_157 = tpu.memref_squeeze %dma_start3A_156 : memref<1x80x125xi32, #tpu.memory_space<hbm>> -> memref<80x125xi32, #tpu.memory_space<hbm>>
          %dma_start3A_158 = arith.constant 0 : i32
          %dma_start3A_159 = tpu.memref_slice %dma_start3A_157[%mul3A_135, %dma_start3A_158] : memref<80x125xi32, #tpu.memory_space<hbm>> -> memref<16x125xi32, #tpu.memory_space<hbm>>
          tpu.enqueue_dma source(%dma_start3A_159 : memref<16x125xi32, #tpu.memory_space<hbm>>) target(%dma_start3A_153 : memref<16x125xi32, #tpu.memory_space<vmem>>) target_semaphore(%arg14 : memref<!tpu.dma_semaphore, #tpu.memory_space<semaphore_mem>>)
        } else {
        }
      } else {
      }
      %dma_start3A_73 = arith.constant 0 : i32
      %dma_start3A_74 = tpu.memref_slice %arg7[%add3A_48, %dma_start3A_73] : memref<80x125xi32, #tpu.memory_space<vmem>> -> memref<1x125xi32, #tpu.memory_space<vmem>>
      %dma_start3A_75 = tpu.memref_squeeze %dma_start3A_74 : memref<1x125xi32, #tpu.memory_space<vmem>> -> memref<125xi32, #tpu.memory_space<vmem>>
      %dma_start3A_76 = arith.constant 0 : i32
      %dma_start3A_77 = arith.constant 0 : i32
      %dma_start3A_78 = tpu.memref_slice %arg4[%dma_start3A_76, %dma_start3A_77] : memref<10000x128xf32, #tpu.memory_space<hbm>> -> memref<10000x128xf32, #tpu.memory_space<hbm>>
      tpu.enqueue_indirect_dma source(%dma_start3A_78 : memref<10000x128xf32, #tpu.memory_space<hbm>>) target(%arg10 : memref<125x128xf32, #tpu.memory_space<vmem>>) offsets(%dma_start3A_75 : memref<125xi32, #tpu.memory_space<vmem>>) semaphore(%arg13 : memref<!tpu.dma_semaphore, #tpu.memory_space<semaphore_mem>>)
      %dma_wait3A_79 = arith.constant 0 : i32
      %dma_wait3A_80 = tpu.memref_slice %arg7[%mul3A_46, %dma_wait3A_79] : memref<80x125xi32, #tpu.memory_space<vmem>> -> memref<1x125xi32, #tpu.memory_space<vmem>>
      %dma_wait3A_81 = tpu.memref_squeeze %dma_wait3A_80 : memref<1x125xi32, #tpu.memory_space<vmem>> -> memref<125xi32, #tpu.memory_space<vmem>>
      %dma_wait3A_82 = arith.constant 0 : i32
      %dma_wait3A_83 = arith.constant 0 : i32
      %dma_wait3A_84 = tpu.memref_slice %arg4[%dma_wait3A_82, %dma_wait3A_83] : memref<10000x128xf32, #tpu.memory_space<hbm>> -> memref<10000x128xf32, #tpu.memory_space<hbm>>
      tpu.wait_indirect_dma semaphore(%arg12 : memref<!tpu.dma_semaphore, #tpu.memory_space<semaphore_mem>>) src(%dma_wait3A_84 : memref<10000x128xf32, #tpu.memory_space<hbm>>) dst(%arg9 : memref<125x128xf32, #tpu.memory_space<vmem>>)
      %rem3A_85 = arith.constant 16 : i32
      %rem3A_86 = arith.remsi %mul3A_46, %rem3A_85 : i32
      "tpu.region"() ({
        %run_scoped3A_104 = tpu.sem_alloc : memref<!tpu.dma_semaphore, #tpu.memory_space<semaphore_mem>>
        %dma_start3A_105 = arith.constant 0 : i32
        %dma_start3A_106 = tpu.memref_slice %arg8[%rem3A_66, %rem3A_86, %dma_start3A_105] : memref<2x16x125xi32, #tpu.memory_space<vmem>> -> memref<1x1x125xi32, #tpu.memory_space<vmem>>
        %dma_start3A_107 = tpu.memref_squeeze %dma_start3A_106 : memref<1x1x125xi32, #tpu.memory_space<vmem>> -> memref<125xi32, #tpu.memory_space<vmem>>
        %dma_start3A_108 = arith.constant 0 : i32
        %dma_start3A_109 = arith.constant 0 : i32
        %dma_start3A_110 = tpu.memref_slice %arg11[%dma_start3A_108, %dma_start3A_109] : memref<10000x128xf32, #tpu.memory_space<vmem_shared>> -> memref<10000x128xf32, #tpu.memory_space<vmem_shared>>
        tpu.enqueue_indirect_dma source(%arg9 : memref<125x128xf32, #tpu.memory_space<vmem>>) target(%dma_start3A_110 : memref<10000x128xf32, #tpu.memory_space<vmem_shared>>) offsets(%dma_start3A_107 : memref<125xi32, #tpu.memory_space<vmem>>) semaphore(%run_scoped3A_104 : memref<!tpu.dma_semaphore, #tpu.memory_space<semaphore_mem>>) {add = true}
        %dma_wait3A_111 = arith.constant 0 : i32
        %dma_wait3A_112 = tpu.memref_slice %arg8[%rem3A_66, %rem3A_86, %dma_wait3A_111] : memref<2x16x125xi32, #tpu.memory_space<vmem>> -> memref<1x1x125xi32, #tpu.memory_space<vmem>>
        %dma_wait3A_113 = tpu.memref_squeeze %dma_wait3A_112 : memref<1x1x125xi32, #tpu.memory_space<vmem>> -> memref<125xi32, #tpu.memory_space<vmem>>
        %dma_wait3A_114 = arith.constant 0 : i32
        %dma_wait3A_115 = arith.constant 0 : i32
        %dma_wait3A_116 = tpu.memref_slice %arg11[%dma_wait3A_114, %dma_wait3A_115] : memref<10000x128xf32, #tpu.memory_space<vmem_shared>> -> memref<10000x128xf32, #tpu.memory_space<vmem_shared>>
        tpu.wait_indirect_dma semaphore(%run_scoped3A_104 : memref<!tpu.dma_semaphore, #tpu.memory_space<semaphore_mem>>) src(%arg9 : memref<125x128xf32, #tpu.memory_space<vmem>>) dst(%dma_wait3A_116 : memref<10000x128xf32, #tpu.memory_space<vmem_shared>>)
        tpu.yield
      }) : () -> ()
      %add3A_87 = arith.constant 2 : i32
      %add3A_88 = arith.addi %mul3A_46, %add3A_87 : i32
      %min3A = arith.constant 79 : i32
      %min3A_89 = arith.minsi %add3A_88, %min3A : i32
      %dma_start3A_90 = arith.constant 0 : i32
      %dma_start3A_91 = tpu.memref_slice %arg7[%min3A_89, %dma_start3A_90] : memref<80x125xi32, #tpu.memory_space<vmem>> -> memref<1x125xi32, #tpu.memory_space<vmem>>
      %dma_start3A_92 = tpu.memref_squeeze %dma_start3A_91 : memref<1x125xi32, #tpu.memory_space<vmem>> -> memref<125xi32, #tpu.memory_space<vmem>>
      %dma_start3A_93 = arith.constant 0 : i32
      %dma_start3A_94 = arith.constant 0 : i32
      %dma_start3A_95 = tpu.memref_slice %arg4[%dma_start3A_93, %dma_start3A_94] : memref<10000x128xf32, #tpu.memory_space<hbm>> -> memref<10000x128xf32, #tpu.memory_space<hbm>>
      tpu.enqueue_indirect_dma source(%dma_start3A_95 : memref<10000x128xf32, #tpu.memory_space<hbm>>) target(%arg9 : memref<125x128xf32, #tpu.memory_space<vmem>>) offsets(%dma_start3A_92 : memref<125xi32, #tpu.memory_space<vmem>>) semaphore(%arg12 : memref<!tpu.dma_semaphore, #tpu.memory_space<semaphore_mem>>)
      %dma_wait3A_96 = arith.constant 0 : i32
      %dma_wait3A_97 = tpu.memref_slice %arg7[%add3A_48, %dma_wait3A_96] : memref<80x125xi32, #tpu.memory_space<vmem>> -> memref<1x125xi32, #tpu.memory_space<vmem>>
      %dma_wait3A_98 = tpu.memref_squeeze %dma_wait3A_97 : memref<1x125xi32, #tpu.memory_space<vmem>> -> memref<125xi32, #tpu.memory_space<vmem>>
      %dma_wait3A_99 = arith.constant 0 : i32
      %dma_wait3A_100 = arith.constant 0 : i32
      %dma_wait3A_101 = tpu.memref_slice %arg4[%dma_wait3A_99, %dma_wait3A_100] : memref<10000x128xf32, #tpu.memory_space<hbm>> -> memref<10000x128xf32, #tpu.memory_space<hbm>>
      tpu.wait_indirect_dma semaphore(%arg13 : memref<!tpu.dma_semaphore, #tpu.memory_space<semaphore_mem>>) src(%dma_wait3A_101 : memref<10000x128xf32, #tpu.memory_space<hbm>>) dst(%arg10 : memref<125x128xf32, #tpu.memory_space<vmem>>)
      %rem3A_102 = arith.constant 16 : i32
      %rem3A_103 = arith.remsi %add3A_48, %rem3A_102 : i32
      "tpu.region"() ({
        %run_scoped3A_104 = tpu.sem_alloc : memref<!tpu.dma_semaphore, #tpu.memory_space<semaphore_mem>>
        %dma_start3A_105 = arith.constant 0 : i32
        %dma_start3A_106 = tpu.memref_slice %arg8[%rem3A_66, %rem3A_103, %dma_start3A_105] : memref<2x16x125xi32, #tpu.memory_space<vmem>> -> memref<1x1x125xi32, #tpu.memory_space<vmem>>
        %dma_start3A_107 = tpu.memref_squeeze %dma_start3A_106 : memref<1x1x125xi32, #tpu.memory_space<vmem>> -> memref<125xi32, #tpu.memory_space<vmem>>
        %dma_start3A_108 = arith.constant 0 : i32
        %dma_start3A_109 = arith.constant 0 : i32
        %dma_start3A_110 = tpu.memref_slice %arg11[%dma_start3A_108, %dma_start3A_109] : memref<10000x128xf32, #tpu.memory_space<vmem_shared>> -> memref<10000x128xf32, #tpu.memory_space<vmem_shared>>
        tpu.enqueue_indirect_dma source(%arg10 : memref<125x128xf32, #tpu.memory_space<vmem>>) target(%dma_start3A_110 : memref<10000x128xf32, #tpu.memory_space<vmem_shared>>) offsets(%dma_start3A_107 : memref<125xi32, #tpu.memory_space<vmem>>) semaphore(%run_scoped3A_104 : memref<!tpu.dma_semaphore, #tpu.memory_space<semaphore_mem>>) {add = true}
        %dma_wait3A_111 = arith.constant 0 : i32
        %dma_wait3A_112 = tpu.memref_slice %arg8[%rem3A_66, %rem3A_103, %dma_wait3A_111] : memref<2x16x125xi32, #tpu.memory_space<vmem>> -> memref<1x1x125xi32, #tpu.memory_space<vmem>>
        %dma_wait3A_113 = tpu.memref_squeeze %dma_wait3A_112 : memref<1x1x125xi32, #tpu.memory_space<vmem>> -> memref<125xi32, #tpu.memory_space<vmem>>
        %dma_wait3A_114 = arith.constant 0 : i32
        %dma_wait3A_115 = arith.constant 0 : i32
        %dma_wait3A_116 = tpu.memref_slice %arg11[%dma_wait3A_114, %dma_wait3A_115] : memref<10000x128xf32, #tpu.memory_space<vmem_shared>> -> memref<10000x128xf32, #tpu.memory_space<vmem_shared>>
        tpu.wait_indirect_dma semaphore(%run_scoped3A_104 : memref<!tpu.dma_semaphore, #tpu.memory_space<semaphore_mem>>) src(%arg10 : memref<125x128xf32, #tpu.memory_space<vmem>>) dst(%dma_wait3A_116 : memref<10000x128xf32, #tpu.memory_space<vmem_shared>>)
        tpu.yield
      }) : () -> ()
    }
    %scan3A_36 = arith.constant 40 : i32
    %dma_wait3A = arith.constant 79 : i32
    %dma_wait3A_37 = arith.constant 0 : i32
    %dma_wait3A_38 = tpu.memref_slice %arg7[%dma_wait3A, %dma_wait3A_37] : memref<80x125xi32, #tpu.memory_space<vmem>> -> memref<1x125xi32, #tpu.memory_space<vmem>>
    %dma_wait3A_39 = tpu.memref_squeeze %dma_wait3A_38 : memref<1x125xi32, #tpu.memory_space<vmem>> -> memref<125xi32, #tpu.memory_space<vmem>>
    %dma_wait3A_40 = arith.constant 0 : i32
    %dma_wait3A_41 = arith.constant 0 : i32
    %dma_wait3A_42 = tpu.memref_slice %arg4[%dma_wait3A_40, %dma_wait3A_41] : memref<10000x128xf32, #tpu.memory_space<hbm>> -> memref<10000x128xf32, #tpu.memory_space<hbm>>
    tpu.wait_indirect_dma semaphore(%arg12 : memref<!tpu.dma_semaphore, #tpu.memory_space<semaphore_mem>>) src(%dma_wait3A_42 : memref<10000x128xf32, #tpu.memory_space<hbm>>) dst(%arg9 : memref<125x128xf32, #tpu.memory_space<vmem>>)
    %barrier3A_43 = arith.constant 0 : index
    tpu.barrier barrier_id(%barrier3A_43)
    "tpu.region"() ({
      %run_scoped3A_44 = tpu.sem_alloc : memref<!tpu.dma_semaphore, #tpu.memory_space<semaphore_mem>>
      %dma_start3A_45 = arith.constant 0 : i32
      %dma_start3A_46 = arith.constant 0 : i32
      %dma_start3A_47 = tpu.memref_slice %arg6[%arg0, %dma_start3A_45, %dma_start3A_46] : memref<2x10000x128xf32, #tpu.memory_space<hbm>> -> memref<1x10000x128xf32, #tpu.memory_space<hbm>>
      %dma_start3A_48 = tpu.memref_squeeze %dma_start3A_47 : memref<1x10000x128xf32, #tpu.memory_space<hbm>> -> memref<10000x128xf32, #tpu.memory_space<hbm>>
      %dma_start3A_49 = arith.constant 0 : i32
      %dma_start3A_50 = tpu.memref_slice %dma_start3A_48[%mul3A_2, %dma_start3A_49] : memref<10000x128xf32, #tpu.memory_space<hbm>> -> memref<640x128xf32, #tpu.memory_space<hbm>>
      %dma_start3A_51 = arith.constant 0 : i32
      %dma_start3A_52 = tpu.memref_slice %arg11[%mul3A_2, %dma_start3A_51] : memref<10000x128xf32, #tpu.memory_space<vmem_shared>> -> memref<640x128xf32, #tpu.memory_space<vmem_shared>>
      tpu.enqueue_dma source(%dma_start3A_52 : memref<640x128xf32, #tpu.memory_space<vmem_shared>>) target(%dma_start3A_50 : memref<640x128xf32, #tpu.memory_space<hbm>>) target_semaphore(%run_scoped3A_44 : memref<!tpu.dma_semaphore, #tpu.memory_space<semaphore_mem>>)
      %dma_wait3A_53 = arith.constant 0 : i32
      %dma_wait3A_54 = arith.constant 0 : i32
      %dma_wait3A_55 = tpu.memref_slice %arg6[%arg0, %dma_wait3A_53, %dma_wait3A_54] : memref<2x10000x128xf32, #tpu.memory_space<hbm>> -> memref<1x10000x128xf32, #tpu.memory_space<hbm>>
      %dma_wait3A_56 = tpu.memref_squeeze %dma_wait3A_55 : memref<1x10000x128xf32, #tpu.memory_space<hbm>> -> memref<10000x128xf32, #tpu.memory_space<hbm>>
      %dma_wait3A_57 = arith.constant 0 : i32
      %dma_wait3A_58 = tpu.memref_slice %dma_wait3A_56[%mul3A_2, %dma_wait3A_57] : memref<10000x128xf32, #tpu.memory_space<hbm>> -> memref<640x128xf32, #tpu.memory_space<hbm>>
      %dma_wait3A_59 = arith.constant 0 : i32
      %dma_wait3A_60 = tpu.memref_slice %arg11[%mul3A_2, %dma_wait3A_59] : memref<10000x128xf32, #tpu.memory_space<vmem_shared>> -> memref<640x128xf32, #tpu.memory_space<vmem_shared>>
      tpu.wait_dma2 semaphore(%run_scoped3A_44 : memref<!tpu.dma_semaphore, #tpu.memory_space<semaphore_mem>>) src(%dma_wait3A_60 : memref<640x128xf32, #tpu.memory_space<vmem_shared>>) dst(%dma_wait3A_58 : memref<640x128xf32, #tpu.memory_space<hbm>>)
      tpu.yield
    }) : () -> ()
    return
  }
}

#map = affine_map<(d0, d1) -> (0, 0, 0)>
module attributes {stable_mosaic.version = 14 : i64} {
  func.func @_deg_kernel(%arg0: i32, %arg1: i32, %arg2: memref<32x80x125xi32, #tpu.memory_space<hbm>>, %arg3: memref<2x10000x16xf32, #tpu.memory_space<hbm>>, %arg4: memref<80x125xi32, #tpu.memory_space<vmem>>, %arg5: memref<125x16xf32, #tpu.memory_space<vmem>>, %arg6: memref<40x16xf32, #tpu.memory_space<vmem>>, %arg7: memref<10000x16xf32, #tpu.memory_space<vmem_shared>>, %arg8: memref<!tpu.dma_semaphore, #tpu.memory_space<semaphore_mem>>) attributes {dimension_semantics = [#tpu.dimension_semantics<core_parallel>, #tpu.dimension_semantics<subcore_parallel>], iteration_bounds = array<i64: 2, 16>, scalar_prefetch = 0 : i64, scratch_operands = 5 : i64, tpu.core_type = #tpu.core_type<sc_vector_subcore>, window_params = [{transform_indices = #map}, {transform_indices = #map}]} {
    %mul3A = arith.constant 2 : i32
    %mul3A_0 = arith.muli %arg1, %mul3A : i32
    %add3A = arith.addi %mul3A_0, %arg0 : i32
    %mul3A_1 = arith.constant 624 : i32
    %mul3A_2 = arith.muli %arg1, %mul3A_1 : i32
    "tpu.region"() ({
      %run_scoped3A = tpu.sem_alloc : memref<!tpu.dma_semaphore, #tpu.memory_space<semaphore_mem>>
      %dma_start3A = arith.constant 0 : i32
      %dma_start3A_59 = arith.constant 0 : i32
      %dma_start3A_60 = tpu.memref_slice %arg2[%add3A, %dma_start3A, %dma_start3A_59] : memref<32x80x125xi32, #tpu.memory_space<hbm>> -> memref<1x80x125xi32, #tpu.memory_space<hbm>>
      %dma_start3A_61 = tpu.memref_squeeze %dma_start3A_60 : memref<1x80x125xi32, #tpu.memory_space<hbm>> -> memref<80x125xi32, #tpu.memory_space<hbm>>
      %dma_start3A_62 = arith.constant 0 : i32
      %dma_start3A_63 = arith.constant 0 : i32
      %dma_start3A_64 = tpu.memref_slice %arg2[%add3A, %dma_start3A_62, %dma_start3A_63] : memref<32x80x125xi32, #tpu.memory_space<hbm>> -> memref<1x80x125xi32, #tpu.memory_space<hbm>>
      %dma_start3A_65 = tpu.memref_squeeze %dma_start3A_64 : memref<1x80x125xi32, #tpu.memory_space<hbm>> -> memref<80x125xi32, #tpu.memory_space<hbm>>
      tpu.enqueue_dma source(%dma_start3A_65 : memref<80x125xi32, #tpu.memory_space<hbm>>) target(%arg4 : memref<80x125xi32, #tpu.memory_space<vmem>>) target_semaphore(%run_scoped3A : memref<!tpu.dma_semaphore, #tpu.memory_space<semaphore_mem>>)
      %dma_wait3A = arith.constant 0 : i32
      %dma_wait3A_66 = arith.constant 0 : i32
      %dma_wait3A_67 = tpu.memref_slice %arg2[%add3A, %dma_wait3A, %dma_wait3A_66] : memref<32x80x125xi32, #tpu.memory_space<hbm>> -> memref<1x80x125xi32, #tpu.memory_space<hbm>>
      %dma_wait3A_68 = tpu.memref_squeeze %dma_wait3A_67 : memref<1x80x125xi32, #tpu.memory_space<hbm>> -> memref<80x125xi32, #tpu.memory_space<hbm>>
      %dma_wait3A_69 = arith.constant 0 : i32
      %dma_wait3A_70 = arith.constant 0 : i32
      %dma_wait3A_71 = tpu.memref_slice %arg2[%add3A, %dma_wait3A_69, %dma_wait3A_70] : memref<32x80x125xi32, #tpu.memory_space<hbm>> -> memref<1x80x125xi32, #tpu.memory_space<hbm>>
      %dma_wait3A_72 = tpu.memref_squeeze %dma_wait3A_71 : memref<1x80x125xi32, #tpu.memory_space<hbm>> -> memref<80x125xi32, #tpu.memory_space<hbm>>
      tpu.wait_dma2 semaphore(%run_scoped3A : memref<!tpu.dma_semaphore, #tpu.memory_space<semaphore_mem>>) src(%dma_wait3A_72 : memref<80x125xi32, #tpu.memory_space<hbm>>) dst(%arg4 : memref<80x125xi32, #tpu.memory_space<vmem>>)
      tpu.yield
    }) : () -> ()
    %scan3A = arith.constant 0 : i32
    %scan3A_3 = arith.constant 0 : i32
    %scan3A_4 = arith.constant 125 : i32
    %scan3A_5 = arith.addi %scan3A_3, %scan3A_4 : i32
    %scan3A_6 = arith.constant 1 : i32
    scf.for %scan3A_59 = %scan3A_3 to %scan3A_5 step %scan3A_6  : i32 {
      %broadcast_in_dim3A = arith.constant 1.000000e+00 : f32
      %broadcast_in_dim3A_60 = vector.broadcast %broadcast_in_dim3A : f32 to vector<16xf32>
      %swap3A = arith.index_cast %scan3A_59 : i32 to index
      %swap3A_61 = arith.constant 0 : index
      %swap3A_62 = tpu.vector_load %arg5[%swap3A, %swap3A_61] {strides = array<i32>} : memref<125x16xf32, #tpu.memory_space<vmem>>, vector<1x16xf32>,
      %swap3A_63 = vector.shape_cast %swap3A_62 : vector<1x16xf32> to vector<16xf32>
      %swap3A_64 = vector.shape_cast %broadcast_in_dim3A_60 : vector<16xf32> to vector<1x16xf32>
      tpu.vector_store %arg5[%swap3A, %swap3A_61], %swap3A_64 {strides = array<i32>} : memref<125x16xf32, #tpu.memory_space<vmem>>, vector<1x16xf32>,
    }
    %scan3A_7 = arith.constant 125 : i32
    %scan3A_8 = arith.constant 0 : i32
    %scan3A_9 = arith.constant 0 : i32
    %scan3A_10 = arith.constant 40 : i32
    %scan3A_11 = arith.addi %scan3A_9, %scan3A_10 : i32
    %scan3A_12 = arith.constant 1 : i32
    scf.for %scan3A_59 = %scan3A_9 to %scan3A_11 step %scan3A_12  : i32 {
      %broadcast_in_dim3A = arith.constant 5.000000e-01 : f32
      %broadcast_in_dim3A_60 = vector.broadcast %broadcast_in_dim3A : f32 to vector<16xf32>
      %swap3A = arith.index_cast %scan3A_59 : i32 to index
      %swap3A_61 = arith.constant 0 : index
      %swap3A_62 = tpu.vector_load %arg6[%swap3A, %swap3A_61] {strides = array<i32>} : memref<40x16xf32, #tpu.memory_space<vmem>>, vector<1x16xf32>,
      %swap3A_63 = vector.shape_cast %swap3A_62 : vector<1x16xf32> to vector<16xf32>
      %swap3A_64 = vector.shape_cast %broadcast_in_dim3A_60 : vector<16xf32> to vector<1x16xf32>
      tpu.vector_store %arg6[%swap3A, %swap3A_61], %swap3A_64 {strides = array<i32>} : memref<40x16xf32, #tpu.memory_space<vmem>>, vector<1x16xf32>,
    }
    %scan3A_13 = arith.constant 40 : i32
    %add3A_14 = arith.constant 0 : i32
    %add3A_15 = arith.addi %mul3A_2, %add3A_14 : i32
    "tpu.region"() ({
      %run_scoped3A = tpu.sem_alloc : memref<!tpu.dma_semaphore, #tpu.memory_space<semaphore_mem>>
      %dma_start3A = arith.constant 0 : i32
      %dma_start3A_59 = tpu.memref_slice %arg7[%add3A_15, %dma_start3A] : memref<10000x16xf32, #tpu.memory_space<vmem_shared>> -> memref<40x16xf32, #tpu.memory_space<vmem_shared>>
      %dma_start3A_60 = arith.constant 0 : i32
      %dma_start3A_61 = tpu.memref_slice %arg7[%add3A_15, %dma_start3A_60] : memref<10000x16xf32, #tpu.memory_space<vmem_shared>> -> memref<40x16xf32, #tpu.memory_space<vmem_shared>>
      tpu.enqueue_dma source(%arg6 : memref<40x16xf32, #tpu.memory_space<vmem>>) target(%dma_start3A_61 : memref<40x16xf32, #tpu.memory_space<vmem_shared>>) target_semaphore(%run_scoped3A : memref<!tpu.dma_semaphore, #tpu.memory_space<semaphore_mem>>)
      %dma_wait3A = arith.constant 0 : i32
      %dma_wait3A_62 = tpu.memref_slice %arg7[%add3A_15, %dma_wait3A] : memref<10000x16xf32, #tpu.memory_space<vmem_shared>> -> memref<40x16xf32, #tpu.memory_space<vmem_shared>>
      %dma_wait3A_63 = arith.constant 0 : i32
      %dma_wait3A_64 = tpu.memref_slice %arg7[%add3A_15, %dma_wait3A_63] : memref<10000x16xf32, #tpu.memory_space<vmem_shared>> -> memref<40x16xf32, #tpu.memory_space<vmem_shared>>
      tpu.wait_dma2 semaphore(%run_scoped3A : memref<!tpu.dma_semaphore, #tpu.memory_space<semaphore_mem>>) src(%arg6 : memref<40x16xf32, #tpu.memory_space<vmem>>) dst(%dma_wait3A_64 : memref<40x16xf32, #tpu.memory_space<vmem_shared>>)
      tpu.yield
    }) : () -> ()
    %add3A_16 = arith.constant 40 : i32
    %add3A_17 = arith.addi %mul3A_2, %add3A_16 : i32
    "tpu.region"() ({
      %run_scoped3A = tpu.sem_alloc : memref<!tpu.dma_semaphore, #tpu.memory_space<semaphore_mem>>
      %dma_start3A = arith.constant 0 : i32
      %dma_start3A_59 = tpu.memref_slice %arg7[%add3A_17, %dma_start3A] : memref<10000x16xf32, #tpu.memory_space<vmem_shared>> -> memref<40x16xf32, #tpu.memory_space<vmem_shared>>
      %dma_start3A_60 = arith.constant 0 : i32
      %dma_start3A_61 = tpu.memref_slice %arg7[%add3A_17, %dma_start3A_60] : memref<10000x16xf32, #tpu.memory_space<vmem_shared>> -> memref<40x16xf32, #tpu.memory_space<vmem_shared>>
      tpu.enqueue_dma source(%arg6 : memref<40x16xf32, #tpu.memory_space<vmem>>) target(%dma_start3A_61 : memref<40x16xf32, #tpu.memory_space<vmem_shared>>) target_semaphore(%run_scoped3A : memref<!tpu.dma_semaphore, #tpu.memory_space<semaphore_mem>>)
      %dma_wait3A = arith.constant 0 : i32
      %dma_wait3A_62 = tpu.memref_slice %arg7[%add3A_17, %dma_wait3A] : memref<10000x16xf32, #tpu.memory_space<vmem_shared>> -> memref<40x16xf32, #tpu.memory_space<vmem_shared>>
      %dma_wait3A_63 = arith.constant 0 : i32
      %dma_wait3A_64 = tpu.memref_slice %arg7[%add3A_17, %dma_wait3A_63] : memref<10000x16xf32, #tpu.memory_space<vmem_shared>> -> memref<40x16xf32, #tpu.memory_space<vmem_shared>>
      tpu.wait_dma2 semaphore(%run_scoped3A : memref<!tpu.dma_semaphore, #tpu.memory_space<semaphore_mem>>) src(%arg6 : memref<40x16xf32, #tpu.memory_space<vmem>>) dst(%dma_wait3A_64 : memref<40x16xf32, #tpu.memory_space<vmem_shared>>)
      tpu.yield
    }) : () -> ()
    %add3A_18 = arith.constant 80 : i32
    %add3A_19 = arith.addi %mul3A_2, %add3A_18 : i32
    "tpu.region"() ({
      %run_scoped3A = tpu.sem_alloc : memref<!tpu.dma_semaphore, #tpu.memory_space<semaphore_mem>>
      %dma_start3A = arith.constant 0 : i32
      %dma_start3A_59 = tpu.memref_slice %arg7[%add3A_19, %dma_start3A] : memref<10000x16xf32, #tpu.memory_space<vmem_shared>> -> memref<40x16xf32, #tpu.memory_space<vmem_shared>>
      %dma_start3A_60 = arith.constant 0 : i32
      %dma_start3A_61 = tpu.memref_slice %arg7[%add3A_19, %dma_start3A_60] : memref<10000x16xf32, #tpu.memory_space<vmem_shared>> -> memref<40x16xf32, #tpu.memory_space<vmem_shared>>
      tpu.enqueue_dma source(%arg6 : memref<40x16xf32, #tpu.memory_space<vmem>>) target(%dma_start3A_61 : memref<40x16xf32, #tpu.memory_space<vmem_shared>>) target_semaphore(%run_scoped3A : memref<!tpu.dma_semaphore, #tpu.memory_space<semaphore_mem>>)
      %dma_wait3A = arith.constant 0 : i32
      %dma_wait3A_62 = tpu.memref_slice %arg7[%add3A_19, %dma_wait3A] : memref<10000x16xf32, #tpu.memory_space<vmem_shared>> -> memref<40x16xf32, #tpu.memory_space<vmem_shared>>
      %dma_wait3A_63 = arith.constant 0 : i32
      %dma_wait3A_64 = tpu.memref_slice %arg7[%add3A_19, %dma_wait3A_63] : memref<10000x16xf32, #tpu.memory_space<vmem_shared>> -> memref<40x16xf32, #tpu.memory_space<vmem_shared>>
      tpu.wait_dma2 semaphore(%run_scoped3A : memref<!tpu.dma_semaphore, #tpu.memory_space<semaphore_mem>>) src(%arg6 : memref<40x16xf32, #tpu.memory_space<vmem>>) dst(%dma_wait3A_64 : memref<40x16xf32, #tpu.memory_space<vmem_shared>>)
      tpu.yield
    }) : () -> ()
    %add3A_20 = arith.constant 120 : i32
    %add3A_21 = arith.addi %mul3A_2, %add3A_20 : i32
    "tpu.region"() ({
      %run_scoped3A = tpu.sem_alloc : memref<!tpu.dma_semaphore, #tpu.memory_space<semaphore_mem>>
      %dma_start3A = arith.constant 0 : i32
      %dma_start3A_59 = tpu.memref_slice %arg7[%add3A_21, %dma_start3A] : memref<10000x16xf32, #tpu.memory_space<vmem_shared>> -> memref<40x16xf32, #tpu.memory_space<vmem_shared>>
      %dma_start3A_60 = arith.constant 0 : i32
      %dma_start3A_61 = tpu.memref_slice %arg7[%add3A_21, %dma_start3A_60] : memref<10000x16xf32, #tpu.memory_space<vmem_shared>> -> memref<40x16xf32, #tpu.memory_space<vmem_shared>>
      tpu.enqueue_dma source(%arg6 : memref<40x16xf32, #tpu.memory_space<vmem>>) target(%dma_start3A_61 : memref<40x16xf32, #tpu.memory_space<vmem_shared>>) target_semaphore(%run_scoped3A : memref<!tpu.dma_semaphore, #tpu.memory_space<semaphore_mem>>)
      %dma_wait3A = arith.constant 0 : i32
      %dma_wait3A_62 = tpu.memref_slice %arg7[%add3A_21, %dma_wait3A] : memref<10000x16xf32, #tpu.memory_space<vmem_shared>> -> memref<40x16xf32, #tpu.memory_space<vmem_shared>>
      %dma_wait3A_63 = arith.constant 0 : i32
      %dma_wait3A_64 = tpu.memref_slice %arg7[%add3A_21, %dma_wait3A_63] : memref<10000x16xf32, #tpu.memory_space<vmem_shared>> -> memref<40x16xf32, #tpu.memory_space<vmem_shared>>
      tpu.wait_dma2 semaphore(%run_scoped3A : memref<!tpu.dma_semaphore, #tpu.memory_space<semaphore_mem>>) src(%arg6 : memref<40x16xf32, #tpu.memory_space<vmem>>) dst(%dma_wait3A_64 : memref<40x16xf32, #tpu.memory_space<vmem_shared>>)
      tpu.yield
    }) : () -> ()
    %add3A_22 = arith.constant 160 : i32
    %add3A_23 = arith.addi %mul3A_2, %add3A_22 : i32
    "tpu.region"() ({
      %run_scoped3A = tpu.sem_alloc : memref<!tpu.dma_semaphore, #tpu.memory_space<semaphore_mem>>
      %dma_start3A = arith.constant 0 : i32
      %dma_start3A_59 = tpu.memref_slice %arg7[%add3A_23, %dma_start3A] : memref<10000x16xf32, #tpu.memory_space<vmem_shared>> -> memref<40x16xf32, #tpu.memory_space<vmem_shared>>
      %dma_start3A_60 = arith.constant 0 : i32
      %dma_start3A_61 = tpu.memref_slice %arg7[%add3A_23, %dma_start3A_60] : memref<10000x16xf32, #tpu.memory_space<vmem_shared>> -> memref<40x16xf32, #tpu.memory_space<vmem_shared>>
      tpu.enqueue_dma source(%arg6 : memref<40x16xf32, #tpu.memory_space<vmem>>) target(%dma_start3A_61 : memref<40x16xf32, #tpu.memory_space<vmem_shared>>) target_semaphore(%run_scoped3A : memref<!tpu.dma_semaphore, #tpu.memory_space<semaphore_mem>>)
      %dma_wait3A = arith.constant 0 : i32
      %dma_wait3A_62 = tpu.memref_slice %arg7[%add3A_23, %dma_wait3A] : memref<10000x16xf32, #tpu.memory_space<vmem_shared>> -> memref<40x16xf32, #tpu.memory_space<vmem_shared>>
      %dma_wait3A_63 = arith.constant 0 : i32
      %dma_wait3A_64 = tpu.memref_slice %arg7[%add3A_23, %dma_wait3A_63] : memref<10000x16xf32, #tpu.memory_space<vmem_shared>> -> memref<40x16xf32, #tpu.memory_space<vmem_shared>>
      tpu.wait_dma2 semaphore(%run_scoped3A : memref<!tpu.dma_semaphore, #tpu.memory_space<semaphore_mem>>) src(%arg6 : memref<40x16xf32, #tpu.memory_space<vmem>>) dst(%dma_wait3A_64 : memref<40x16xf32, #tpu.memory_space<vmem_shared>>)
      tpu.yield
    }) : () -> ()
    %add3A_24 = arith.constant 200 : i32
    %add3A_25 = arith.addi %mul3A_2, %add3A_24 : i32
    "tpu.region"() ({
      %run_scoped3A = tpu.sem_alloc : memref<!tpu.dma_semaphore, #tpu.memory_space<semaphore_mem>>
      %dma_start3A = arith.constant 0 : i32
      %dma_start3A_59 = tpu.memref_slice %arg7[%add3A_25, %dma_start3A] : memref<10000x16xf32, #tpu.memory_space<vmem_shared>> -> memref<40x16xf32, #tpu.memory_space<vmem_shared>>
      %dma_start3A_60 = arith.constant 0 : i32
      %dma_start3A_61 = tpu.memref_slice %arg7[%add3A_25, %dma_start3A_60] : memref<10000x16xf32, #tpu.memory_space<vmem_shared>> -> memref<40x16xf32, #tpu.memory_space<vmem_shared>>
      tpu.enqueue_dma source(%arg6 : memref<40x16xf32, #tpu.memory_space<vmem>>) target(%dma_start3A_61 : memref<40x16xf32, #tpu.memory_space<vmem_shared>>) target_semaphore(%run_scoped3A : memref<!tpu.dma_semaphore, #tpu.memory_space<semaphore_mem>>)
      %dma_wait3A = arith.constant 0 : i32
      %dma_wait3A_62 = tpu.memref_slice %arg7[%add3A_25, %dma_wait3A] : memref<10000x16xf32, #tpu.memory_space<vmem_shared>> -> memref<40x16xf32, #tpu.memory_space<vmem_shared>>
      %dma_wait3A_63 = arith.constant 0 : i32
      %dma_wait3A_64 = tpu.memref_slice %arg7[%add3A_25, %dma_wait3A_63] : memref<10000x16xf32, #tpu.memory_space<vmem_shared>> -> memref<40x16xf32, #tpu.memory_space<vmem_shared>>
      tpu.wait_dma2 semaphore(%run_scoped3A : memref<!tpu.dma_semaphore, #tpu.memory_space<semaphore_mem>>) src(%arg6 : memref<40x16xf32, #tpu.memory_space<vmem>>) dst(%dma_wait3A_64 : memref<40x16xf32, #tpu.memory_space<vmem_shared>>)
      tpu.yield
    }) : () -> ()
    %add3A_26 = arith.constant 240 : i32
    %add3A_27 = arith.addi %mul3A_2, %add3A_26 : i32
    "tpu.region"() ({
      %run_scoped3A = tpu.sem_alloc : memref<!tpu.dma_semaphore, #tpu.memory_space<semaphore_mem>>
      %dma_start3A = arith.constant 0 : i32
      %dma_start3A_59 = tpu.memref_slice %arg7[%add3A_27, %dma_start3A] : memref<10000x16xf32, #tpu.memory_space<vmem_shared>> -> memref<40x16xf32, #tpu.memory_space<vmem_shared>>
      %dma_start3A_60 = arith.constant 0 : i32
      %dma_start3A_61 = tpu.memref_slice %arg7[%add3A_27, %dma_start3A_60] : memref<10000x16xf32, #tpu.memory_space<vmem_shared>> -> memref<40x16xf32, #tpu.memory_space<vmem_shared>>
      tpu.enqueue_dma source(%arg6 : memref<40x16xf32, #tpu.memory_space<vmem>>) target(%dma_start3A_61 : memref<40x16xf32, #tpu.memory_space<vmem_shared>>) target_semaphore(%run_scoped3A : memref<!tpu.dma_semaphore, #tpu.memory_space<semaphore_mem>>)
      %dma_wait3A = arith.constant 0 : i32
      %dma_wait3A_62 = tpu.memref_slice %arg7[%add3A_27, %dma_wait3A] : memref<10000x16xf32, #tpu.memory_space<vmem_shared>> -> memref<40x16xf32, #tpu.memory_space<vmem_shared>>
      %dma_wait3A_63 = arith.constant 0 : i32
      %dma_wait3A_64 = tpu.memref_slice %arg7[%add3A_27, %dma_wait3A_63] : memref<10000x16xf32, #tpu.memory_space<vmem_shared>> -> memref<40x16xf32, #tpu.memory_space<vmem_shared>>
      tpu.wait_dma2 semaphore(%run_scoped3A : memref<!tpu.dma_semaphore, #tpu.memory_space<semaphore_mem>>) src(%arg6 : memref<40x16xf32, #tpu.memory_space<vmem>>) dst(%dma_wait3A_64 : memref<40x16xf32, #tpu.memory_space<vmem_shared>>)
      tpu.yield
    }) : () -> ()
    %add3A_28 = arith.constant 280 : i32
    %add3A_29 = arith.addi %mul3A_2, %add3A_28 : i32
    "tpu.region"() ({
      %run_scoped3A = tpu.sem_alloc : memref<!tpu.dma_semaphore, #tpu.memory_space<semaphore_mem>>
      %dma_start3A = arith.constant 0 : i32
      %dma_start3A_59 = tpu.memref_slice %arg7[%add3A_29, %dma_start3A] : memref<10000x16xf32, #tpu.memory_space<vmem_shared>> -> memref<40x16xf32, #tpu.memory_space<vmem_shared>>
      %dma_start3A_60 = arith.constant 0 : i32
      %dma_start3A_61 = tpu.memref_slice %arg7[%add3A_29, %dma_start3A_60] : memref<10000x16xf32, #tpu.memory_space<vmem_shared>> -> memref<40x16xf32, #tpu.memory_space<vmem_shared>>
      tpu.enqueue_dma source(%arg6 : memref<40x16xf32, #tpu.memory_space<vmem>>) target(%dma_start3A_61 : memref<40x16xf32, #tpu.memory_space<vmem_shared>>) target_semaphore(%run_scoped3A : memref<!tpu.dma_semaphore, #tpu.memory_space<semaphore_mem>>)
      %dma_wait3A = arith.constant 0 : i32
      %dma_wait3A_62 = tpu.memref_slice %arg7[%add3A_29, %dma_wait3A] : memref<10000x16xf32, #tpu.memory_space<vmem_shared>> -> memref<40x16xf32, #tpu.memory_space<vmem_shared>>
      %dma_wait3A_63 = arith.constant 0 : i32
      %dma_wait3A_64 = tpu.memref_slice %arg7[%add3A_29, %dma_wait3A_63] : memref<10000x16xf32, #tpu.memory_space<vmem_shared>> -> memref<40x16xf32, #tpu.memory_space<vmem_shared>>
      tpu.wait_dma2 semaphore(%run_scoped3A : memref<!tpu.dma_semaphore, #tpu.memory_space<semaphore_mem>>) src(%arg6 : memref<40x16xf32, #tpu.memory_space<vmem>>) dst(%dma_wait3A_64 : memref<40x16xf32, #tpu.memory_space<vmem_shared>>)
      tpu.yield
    }) : () -> ()
    %add3A_30 = arith.constant 320 : i32
    %add3A_31 = arith.addi %mul3A_2, %add3A_30 : i32
    "tpu.region"() ({
      %run_scoped3A = tpu.sem_alloc : memref<!tpu.dma_semaphore, #tpu.memory_space<semaphore_mem>>
      %dma_start3A = arith.constant 0 : i32
      %dma_start3A_59 = tpu.memref_slice %arg7[%add3A_31, %dma_start3A] : memref<10000x16xf32, #tpu.memory_space<vmem_shared>> -> memref<40x16xf32, #tpu.memory_space<vmem_shared>>
      %dma_start3A_60 = arith.constant 0 : i32
      %dma_start3A_61 = tpu.memref_slice %arg7[%add3A_31, %dma_start3A_60] : memref<10000x16xf32, #tpu.memory_space<vmem_shared>> -> memref<40x16xf32, #tpu.memory_space<vmem_shared>>
      tpu.enqueue_dma source(%arg6 : memref<40x16xf32, #tpu.memory_space<vmem>>) target(%dma_start3A_61 : memref<40x16xf32, #tpu.memory_space<vmem_shared>>) target_semaphore(%run_scoped3A : memref<!tpu.dma_semaphore, #tpu.memory_space<semaphore_mem>>)
      %dma_wait3A = arith.constant 0 : i32
      %dma_wait3A_62 = tpu.memref_slice %arg7[%add3A_31, %dma_wait3A] : memref<10000x16xf32, #tpu.memory_space<vmem_shared>> -> memref<40x16xf32, #tpu.memory_space<vmem_shared>>
      %dma_wait3A_63 = arith.constant 0 : i32
      %dma_wait3A_64 = tpu.memref_slice %arg7[%add3A_31, %dma_wait3A_63] : memref<10000x16xf32, #tpu.memory_space<vmem_shared>> -> memref<40x16xf32, #tpu.memory_space<vmem_shared>>
      tpu.wait_dma2 semaphore(%run_scoped3A : memref<!tpu.dma_semaphore, #tpu.memory_space<semaphore_mem>>) src(%arg6 : memref<40x16xf32, #tpu.memory_space<vmem>>) dst(%dma_wait3A_64 : memref<40x16xf32, #tpu.memory_space<vmem_shared>>)
      tpu.yield
    }) : () -> ()
    %add3A_32 = arith.constant 360 : i32
    %add3A_33 = arith.addi %mul3A_2, %add3A_32 : i32
    "tpu.region"() ({
      %run_scoped3A = tpu.sem_alloc : memref<!tpu.dma_semaphore, #tpu.memory_space<semaphore_mem>>
      %dma_start3A = arith.constant 0 : i32
      %dma_start3A_59 = tpu.memref_slice %arg7[%add3A_33, %dma_start3A] : memref<10000x16xf32, #tpu.memory_space<vmem_shared>> -> memref<40x16xf32, #tpu.memory_space<vmem_shared>>
      %dma_start3A_60 = arith.constant 0 : i32
      %dma_start3A_61 = tpu.memref_slice %arg7[%add3A_33, %dma_start3A_60] : memref<10000x16xf32, #tpu.memory_space<vmem_shared>> -> memref<40x16xf32, #tpu.memory_space<vmem_shared>>
      tpu.enqueue_dma source(%arg6 : memref<40x16xf32, #tpu.memory_space<vmem>>) target(%dma_start3A_61 : memref<40x16xf32, #tpu.memory_space<vmem_shared>>) target_semaphore(%run_scoped3A : memref<!tpu.dma_semaphore, #tpu.memory_space<semaphore_mem>>)
      %dma_wait3A = arith.constant 0 : i32
      %dma_wait3A_62 = tpu.memref_slice %arg7[%add3A_33, %dma_wait3A] : memref<10000x16xf32, #tpu.memory_space<vmem_shared>> -> memref<40x16xf32, #tpu.memory_space<vmem_shared>>
      %dma_wait3A_63 = arith.constant 0 : i32
      %dma_wait3A_64 = tpu.memref_slice %arg7[%add3A_33, %dma_wait3A_63] : memref<10000x16xf32, #tpu.memory_space<vmem_shared>> -> memref<40x16xf32, #tpu.memory_space<vmem_shared>>
      tpu.wait_dma2 semaphore(%run_scoped3A : memref<!tpu.dma_semaphore, #tpu.memory_space<semaphore_mem>>) src(%arg6 : memref<40x16xf32, #tpu.memory_space<vmem>>) dst(%dma_wait3A_64 : memref<40x16xf32, #tpu.memory_space<vmem_shared>>)
      tpu.yield
    }) : () -> ()
    %add3A_34 = arith.constant 400 : i32
    %add3A_35 = arith.addi %mul3A_2, %add3A_34 : i32
    "tpu.region"() ({
      %run_scoped3A = tpu.sem_alloc : memref<!tpu.dma_semaphore, #tpu.memory_space<semaphore_mem>>
      %dma_start3A = arith.constant 0 : i32
      %dma_start3A_59 = tpu.memref_slice %arg7[%add3A_35, %dma_start3A] : memref<10000x16xf32, #tpu.memory_space<vmem_shared>> -> memref<40x16xf32, #tpu.memory_space<vmem_shared>>
      %dma_start3A_60 = arith.constant 0 : i32
      %dma_start3A_61 = tpu.memref_slice %arg7[%add3A_35, %dma_start3A_60] : memref<10000x16xf32, #tpu.memory_space<vmem_shared>> -> memref<40x16xf32, #tpu.memory_space<vmem_shared>>
      tpu.enqueue_dma source(%arg6 : memref<40x16xf32, #tpu.memory_space<vmem>>) target(%dma_start3A_61 : memref<40x16xf32, #tpu.memory_space<vmem_shared>>) target_semaphore(%run_scoped3A : memref<!tpu.dma_semaphore, #tpu.memory_space<semaphore_mem>>)
      %dma_wait3A = arith.constant 0 : i32
      %dma_wait3A_62 = tpu.memref_slice %arg7[%add3A_35, %dma_wait3A] : memref<10000x16xf32, #tpu.memory_space<vmem_shared>> -> memref<40x16xf32, #tpu.memory_space<vmem_shared>>
      %dma_wait3A_63 = arith.constant 0 : i32
      %dma_wait3A_64 = tpu.memref_slice %arg7[%add3A_35, %dma_wait3A_63] : memref<10000x16xf32, #tpu.memory_space<vmem_shared>> -> memref<40x16xf32, #tpu.memory_space<vmem_shared>>
      tpu.wait_dma2 semaphore(%run_scoped3A : memref<!tpu.dma_semaphore, #tpu.memory_space<semaphore_mem>>) src(%arg6 : memref<40x16xf32, #tpu.memory_space<vmem>>) dst(%dma_wait3A_64 : memref<40x16xf32, #tpu.memory_space<vmem_shared>>)
      tpu.yield
    }) : () -> ()
    %add3A_36 = arith.constant 440 : i32
    %add3A_37 = arith.addi %mul3A_2, %add3A_36 : i32
    "tpu.region"() ({
      %run_scoped3A = tpu.sem_alloc : memref<!tpu.dma_semaphore, #tpu.memory_space<semaphore_mem>>
      %dma_start3A = arith.constant 0 : i32
      %dma_start3A_59 = tpu.memref_slice %arg7[%add3A_37, %dma_start3A] : memref<10000x16xf32, #tpu.memory_space<vmem_shared>> -> memref<40x16xf32, #tpu.memory_space<vmem_shared>>
      %dma_start3A_60 = arith.constant 0 : i32
      %dma_start3A_61 = tpu.memref_slice %arg7[%add3A_37, %dma_start3A_60] : memref<10000x16xf32, #tpu.memory_space<vmem_shared>> -> memref<40x16xf32, #tpu.memory_space<vmem_shared>>
      tpu.enqueue_dma source(%arg6 : memref<40x16xf32, #tpu.memory_space<vmem>>) target(%dma_start3A_61 : memref<40x16xf32, #tpu.memory_space<vmem_shared>>) target_semaphore(%run_scoped3A : memref<!tpu.dma_semaphore, #tpu.memory_space<semaphore_mem>>)
      %dma_wait3A = arith.constant 0 : i32
      %dma_wait3A_62 = tpu.memref_slice %arg7[%add3A_37, %dma_wait3A] : memref<10000x16xf32, #tpu.memory_space<vmem_shared>> -> memref<40x16xf32, #tpu.memory_space<vmem_shared>>
      %dma_wait3A_63 = arith.constant 0 : i32
      %dma_wait3A_64 = tpu.memref_slice %arg7[%add3A_37, %dma_wait3A_63] : memref<10000x16xf32, #tpu.memory_space<vmem_shared>> -> memref<40x16xf32, #tpu.memory_space<vmem_shared>>
      tpu.wait_dma2 semaphore(%run_scoped3A : memref<!tpu.dma_semaphore, #tpu.memory_space<semaphore_mem>>) src(%arg6 : memref<40x16xf32, #tpu.memory_space<vmem>>) dst(%dma_wait3A_64 : memref<40x16xf32, #tpu.memory_space<vmem_shared>>)
      tpu.yield
    }) : () -> ()
    %add3A_38 = arith.constant 480 : i32
    %add3A_39 = arith.addi %mul3A_2, %add3A_38 : i32
    "tpu.region"() ({
      %run_scoped3A = tpu.sem_alloc : memref<!tpu.dma_semaphore, #tpu.memory_space<semaphore_mem>>
      %dma_start3A = arith.constant 0 : i32
      %dma_start3A_59 = tpu.memref_slice %arg7[%add3A_39, %dma_start3A] : memref<10000x16xf32, #tpu.memory_space<vmem_shared>> -> memref<40x16xf32, #tpu.memory_space<vmem_shared>>
      %dma_start3A_60 = arith.constant 0 : i32
      %dma_start3A_61 = tpu.memref_slice %arg7[%add3A_39, %dma_start3A_60] : memref<10000x16xf32, #tpu.memory_space<vmem_shared>> -> memref<40x16xf32, #tpu.memory_space<vmem_shared>>
      tpu.enqueue_dma source(%arg6 : memref<40x16xf32, #tpu.memory_space<vmem>>) target(%dma_start3A_61 : memref<40x16xf32, #tpu.memory_space<vmem_shared>>) target_semaphore(%run_scoped3A : memref<!tpu.dma_semaphore, #tpu.memory_space<semaphore_mem>>)
      %dma_wait3A = arith.constant 0 : i32
      %dma_wait3A_62 = tpu.memref_slice %arg7[%add3A_39, %dma_wait3A] : memref<10000x16xf32, #tpu.memory_space<vmem_shared>> -> memref<40x16xf32, #tpu.memory_space<vmem_shared>>
      %dma_wait3A_63 = arith.constant 0 : i32
      %dma_wait3A_64 = tpu.memref_slice %arg7[%add3A_39, %dma_wait3A_63] : memref<10000x16xf32, #tpu.memory_space<vmem_shared>> -> memref<40x16xf32, #tpu.memory_space<vmem_shared>>
      tpu.wait_dma2 semaphore(%run_scoped3A : memref<!tpu.dma_semaphore, #tpu.memory_space<semaphore_mem>>) src(%arg6 : memref<40x16xf32, #tpu.memory_space<vmem>>) dst(%dma_wait3A_64 : memref<40x16xf32, #tpu.memory_space<vmem_shared>>)
      tpu.yield
    }) : () -> ()
    %add3A_40 = arith.constant 520 : i32
    %add3A_41 = arith.addi %mul3A_2, %add3A_40 : i32
    "tpu.region"() ({
      %run_scoped3A = tpu.sem_alloc : memref<!tpu.dma_semaphore, #tpu.memory_space<semaphore_mem>>
      %dma_start3A = arith.constant 0 : i32
      %dma_start3A_59 = tpu.memref_slice %arg7[%add3A_41, %dma_start3A] : memref<10000x16xf32, #tpu.memory_space<vmem_shared>> -> memref<40x16xf32, #tpu.memory_space<vmem_shared>>
      %dma_start3A_60 = arith.constant 0 : i32
      %dma_start3A_61 = tpu.memref_slice %arg7[%add3A_41, %dma_start3A_60] : memref<10000x16xf32, #tpu.memory_space<vmem_shared>> -> memref<40x16xf32, #tpu.memory_space<vmem_shared>>
      tpu.enqueue_dma source(%arg6 : memref<40x16xf32, #tpu.memory_space<vmem>>) target(%dma_start3A_61 : memref<40x16xf32, #tpu.memory_space<vmem_shared>>) target_semaphore(%run_scoped3A : memref<!tpu.dma_semaphore, #tpu.memory_space<semaphore_mem>>)
      %dma_wait3A = arith.constant 0 : i32
      %dma_wait3A_62 = tpu.memref_slice %arg7[%add3A_41, %dma_wait3A] : memref<10000x16xf32, #tpu.memory_space<vmem_shared>> -> memref<40x16xf32, #tpu.memory_space<vmem_shared>>
      %dma_wait3A_63 = arith.constant 0 : i32
      %dma_wait3A_64 = tpu.memref_slice %arg7[%add3A_41, %dma_wait3A_63] : memref<10000x16xf32, #tpu.memory_space<vmem_shared>> -> memref<40x16xf32, #tpu.memory_space<vmem_shared>>
      tpu.wait_dma2 semaphore(%run_scoped3A : memref<!tpu.dma_semaphore, #tpu.memory_space<semaphore_mem>>) src(%arg6 : memref<40x16xf32, #tpu.memory_space<vmem>>) dst(%dma_wait3A_64 : memref<40x16xf32, #tpu.memory_space<vmem_shared>>)
      tpu.yield
    }) : () -> ()
    %add3A_42 = arith.constant 560 : i32
    %add3A_43 = arith.addi %mul3A_2, %add3A_42 : i32
    "tpu.region"() ({
      %run_scoped3A = tpu.sem_alloc : memref<!tpu.dma_semaphore, #tpu.memory_space<semaphore_mem>>
      %dma_start3A = arith.constant 0 : i32
      %dma_start3A_59 = tpu.memref_slice %arg7[%add3A_43, %dma_start3A] : memref<10000x16xf32, #tpu.memory_space<vmem_shared>> -> memref<40x16xf32, #tpu.memory_space<vmem_shared>>
      %dma_start3A_60 = arith.constant 0 : i32
      %dma_start3A_61 = tpu.memref_slice %arg7[%add3A_43, %dma_start3A_60] : memref<10000x16xf32, #tpu.memory_space<vmem_shared>> -> memref<40x16xf32, #tpu.memory_space<vmem_shared>>
      tpu.enqueue_dma source(%arg6 : memref<40x16xf32, #tpu.memory_space<vmem>>) target(%dma_start3A_61 : memref<40x16xf32, #tpu.memory_space<vmem_shared>>) target_semaphore(%run_scoped3A : memref<!tpu.dma_semaphore, #tpu.memory_space<semaphore_mem>>)
      %dma_wait3A = arith.constant 0 : i32
      %dma_wait3A_62 = tpu.memref_slice %arg7[%add3A_43, %dma_wait3A] : memref<10000x16xf32, #tpu.memory_space<vmem_shared>> -> memref<40x16xf32, #tpu.memory_space<vmem_shared>>
      %dma_wait3A_63 = arith.constant 0 : i32
      %dma_wait3A_64 = tpu.memref_slice %arg7[%add3A_43, %dma_wait3A_63] : memref<10000x16xf32, #tpu.memory_space<vmem_shared>> -> memref<40x16xf32, #tpu.memory_space<vmem_shared>>
      tpu.wait_dma2 semaphore(%run_scoped3A : memref<!tpu.dma_semaphore, #tpu.memory_space<semaphore_mem>>) src(%arg6 : memref<40x16xf32, #tpu.memory_space<vmem>>) dst(%dma_wait3A_64 : memref<40x16xf32, #tpu.memory_space<vmem_shared>>)
      tpu.yield
    }) : () -> ()
    %add3A_44 = arith.constant 600 : i32
    %add3A_45 = arith.addi %mul3A_2, %add3A_44 : i32
    "tpu.region"() ({
      %run_scoped3A = tpu.sem_alloc : memref<!tpu.dma_semaphore, #tpu.memory_space<semaphore_mem>>
      %dma_start3A = arith.constant 0 : i32
      %dma_start3A_59 = tpu.memref_slice %arg7[%add3A_45, %dma_start3A] : memref<10000x16xf32, #tpu.memory_space<vmem_shared>> -> memref<40x16xf32, #tpu.memory_space<vmem_shared>>
      %dma_start3A_60 = arith.constant 0 : i32
      %dma_start3A_61 = tpu.memref_slice %arg7[%add3A_45, %dma_start3A_60] : memref<10000x16xf32, #tpu.memory_space<vmem_shared>> -> memref<40x16xf32, #tpu.memory_space<vmem_shared>>
      tpu.enqueue_dma source(%arg6 : memref<40x16xf32, #tpu.memory_space<vmem>>) target(%dma_start3A_61 : memref<40x16xf32, #tpu.memory_space<vmem_shared>>) target_semaphore(%run_scoped3A : memref<!tpu.dma_semaphore, #tpu.memory_space<semaphore_mem>>)
      %dma_wait3A = arith.constant 0 : i32
      %dma_wait3A_62 = tpu.memref_slice %arg7[%add3A_45, %dma_wait3A] : memref<10000x16xf32, #tpu.memory_space<vmem_shared>> -> memref<40x16xf32, #tpu.memory_space<vmem_shared>>
      %dma_wait3A_63 = arith.constant 0 : i32
      %dma_wait3A_64 = tpu.memref_slice %arg7[%add3A_45, %dma_wait3A_63] : memref<10000x16xf32, #tpu.memory_space<vmem_shared>> -> memref<40x16xf32, #tpu.memory_space<vmem_shared>>
      tpu.wait_dma2 semaphore(%run_scoped3A : memref<!tpu.dma_semaphore, #tpu.memory_space<semaphore_mem>>) src(%arg6 : memref<40x16xf32, #tpu.memory_space<vmem>>) dst(%dma_wait3A_64 : memref<40x16xf32, #tpu.memory_space<vmem_shared>>)
      tpu.yield
    }) : () -> ()
    %barrier3A = arith.constant 0 : index
    tpu.barrier barrier_id(%barrier3A)
    %scan3A_46 = arith.constant 0 : i32
    %scan3A_47 = arith.constant 0 : i32
    %scan3A_48 = arith.constant 80 : i32
    %scan3A_49 = arith.addi %scan3A_47, %scan3A_48 : i32
    %scan3A_50 = arith.constant 1 : i32
    scf.for %scan3A_59 = %scan3A_47 to %scan3A_49 step %scan3A_50  : i32 {
      %dma_start3A = arith.constant 0 : i32
      %dma_start3A_60 = tpu.memref_slice %arg4[%scan3A_59, %dma_start3A] : memref<80x125xi32, #tpu.memory_space<vmem>> -> memref<1x125xi32, #tpu.memory_space<vmem>>
      %dma_start3A_61 = tpu.memref_squeeze %dma_start3A_60 : memref<1x125xi32, #tpu.memory_space<vmem>> -> memref<125xi32, #tpu.memory_space<vmem>>
      %dma_start3A_62 = arith.constant 0 : i32
      %dma_start3A_63 = arith.constant 0 : i32
      %dma_start3A_64 = tpu.memref_slice %arg7[%dma_start3A_62, %dma_start3A_63] : memref<10000x16xf32, #tpu.memory_space<vmem_shared>> -> memref<10000x16xf32, #tpu.memory_space<vmem_shared>>
      tpu.enqueue_indirect_dma source(%arg5 : memref<125x16xf32, #tpu.memory_space<vmem>>) target(%dma_start3A_64 : memref<10000x16xf32, #tpu.memory_space<vmem_shared>>) offsets(%dma_start3A_61 : memref<125xi32, #tpu.memory_space<vmem>>) semaphore(%arg8 : memref<!tpu.dma_semaphore, #tpu.memory_space<semaphore_mem>>) {add = true}
    }
    %scan3A_51 = arith.constant 80 : i32
    %scan3A_52 = arith.constant 0 : i32
    %scan3A_53 = arith.constant 0 : i32
    %scan3A_54 = arith.constant 80 : i32
    %scan3A_55 = arith.addi %scan3A_53, %scan3A_54 : i32
    %scan3A_56 = arith.constant 1 : i32
    scf.for %scan3A_59 = %scan3A_53 to %scan3A_55 step %scan3A_56  : i32 {
      %dma_wait3A = arith.constant 0 : i32
      %dma_wait3A_60 = tpu.memref_slice %arg4[%scan3A_59, %dma_wait3A] : memref<80x125xi32, #tpu.memory_space<vmem>> -> memref<1x125xi32, #tpu.memory_space<vmem>>
      %dma_wait3A_61 = tpu.memref_squeeze %dma_wait3A_60 : memref<1x125xi32, #tpu.memory_space<vmem>> -> memref<125xi32, #tpu.memory_space<vmem>>
      %dma_wait3A_62 = arith.constant 0 : i32
      %dma_wait3A_63 = arith.constant 0 : i32
      %dma_wait3A_64 = tpu.memref_slice %arg7[%dma_wait3A_62, %dma_wait3A_63] : memref<10000x16xf32, #tpu.memory_space<vmem_shared>> -> memref<10000x16xf32, #tpu.memory_space<vmem_shared>>
      tpu.wait_indirect_dma semaphore(%arg8 : memref<!tpu.dma_semaphore, #tpu.memory_space<semaphore_mem>>) src(%arg5 : memref<125x16xf32, #tpu.memory_space<vmem>>) dst(%dma_wait3A_64 : memref<10000x16xf32, #tpu.memory_space<vmem_shared>>)
    }
    %scan3A_57 = arith.constant 80 : i32
    %barrier3A_58 = arith.constant 0 : index
    tpu.barrier barrier_id(%barrier3A_58)
    "tpu.region"() ({
      %run_scoped3A = tpu.sem_alloc : memref<!tpu.dma_semaphore, #tpu.memory_space<semaphore_mem>>
      %dma_start3A = arith.constant 0 : i32
      %dma_start3A_59 = arith.constant 0 : i32
      %dma_start3A_60 = tpu.memref_slice %arg3[%arg0, %dma_start3A, %dma_start3A_59] : memref<2x10000x16xf32, #tpu.memory_space<hbm>> -> memref<1x10000x16xf32, #tpu.memory_space<hbm>>
      %dma_start3A_61 = tpu.memref_squeeze %dma_start3A_60 : memref<1x10000x16xf32, #tpu.memory_space<hbm>> -> memref<10000x16xf32, #tpu.memory_space<hbm>>
      %dma_start3A_62 = arith.constant 0 : i32
      %dma_start3A_63 = tpu.memref_slice %dma_start3A_61[%mul3A_2, %dma_start3A_62] : memref<10000x16xf32, #tpu.memory_space<hbm>> -> memref<640x16xf32, #tpu.memory_space<hbm>>
      %dma_start3A_64 = arith.constant 0 : i32
      %dma_start3A_65 = tpu.memref_slice %arg7[%mul3A_2, %dma_start3A_64] : memref<10000x16xf32, #tpu.memory_space<vmem_shared>> -> memref<640x16xf32, #tpu.memory_space<vmem_shared>>
      tpu.enqueue_dma source(%dma_start3A_65 : memref<640x16xf32, #tpu.memory_space<vmem_shared>>) target(%dma_start3A_63 : memref<640x16xf32, #tpu.memory_space<hbm>>) target_semaphore(%run_scoped3A : memref<!tpu.dma_semaphore, #tpu.memory_space<semaphore_mem>>)
      %dma_wait3A = arith.constant 0 : i32
      %dma_wait3A_66 = arith.constant 0 : i32
      %dma_wait3A_67 = tpu.memref_slice %arg3[%arg0, %dma_wait3A, %dma_wait3A_66] : memref<2x10000x16xf32, #tpu.memory_space<hbm>> -> memref<1x10000x16xf32, #tpu.memory_space<hbm>>
      %dma_wait3A_68 = tpu.memref_squeeze %dma_wait3A_67 : memref<1x10000x16xf32, #tpu.memory_space<hbm>> -> memref<10000x16xf32, #tpu.memory_space<hbm>>
      %dma_wait3A_69 = arith.constant 0 : i32
      %dma_wait3A_70 = tpu.memref_slice %dma_wait3A_68[%mul3A_2, %dma_wait3A_69] : memref<10000x16xf32, #tpu.memory_space<hbm>> -> memref<640x16xf32, #tpu.memory_space<hbm>>
      %dma_wait3A_71 = arith.constant 0 : i32
      %dma_wait3A_72 = tpu.memref_slice %arg7[%mul3A_2, %dma_wait3A_71] : memref<10000x16xf32, #tpu.memory_space<vmem_shared>> -> memref<640x16xf32, #tpu.memory_space<vmem_shared>>
      tpu.wait_dma2 semaphore(%run_scoped3A : memref<!tpu.dma_semaphore, #tpu.memory_space<semaphore_mem>>) src(%dma_wait3A_72 : memref<640x16xf32, #tpu.memory_space<vmem_shared>>) dst(%dma_wait3A_70 : memref<640x16xf32, #tpu.memory_space<hbm>>)
      tpu.yield
    }) : () -> ()
    return
  }
}

module attributes {stable_mosaic.version = 14 : i64} {
  func.func @_y_body(%arg0: i32, %arg1: memref<1x1000x16xf32, #tpu.memory_space<vmem>>, %arg2: memref<1x1000x16xf32, #tpu.memory_space<vmem>>, %arg3: memref<1000x128xf32, #tpu.memory_space<vmem>>, %arg4: memref<1000x128xf32, #tpu.memory_space<vmem>>, %arg5: memref<1000x128xf32, #tpu.memory_space<vmem>>) attributes {dimension_semantics = [#tpu.dimension_semantics<arbitrary>], iteration_bounds = array<i64: 10>, scalar_prefetch = 0 : i64, scratch_operands = 0 : i64, tpu.core_type = #tpu.core_type<tc>, window_params = [{transform_indices = @transform_0, window_bounds = array<i64: 1, 1000, 16>}, {transform_indices = @transform_1, window_bounds = array<i64: 1, 1000, 16>}, {transform_indices = @transform_2, window_bounds = array<i64: 1000, 128>}, {transform_indices = @transform_3, window_bounds = array<i64: 1000, 128>}, {transform_indices = @transform_4, window_bounds = array<i64: 1000, 128>}]} {
    %get3A = arith.constant 0 : index
    %get3A_0 = arith.constant 0 : index
    %get3A_1 = arith.constant 0 : index
    %get3A_2 = vector.load %arg1[%get3A, %get3A_0, %get3A_1] : memref<1x1000x16xf32, #tpu.memory_space<vmem>>, vector<1x1000x1xf32>
    %get3A_3 = vector.shape_cast %get3A_2 : vector<1x1000x1xf32> to vector<1000x1xf32>
    %get3A_4 = arith.constant 0 : index
    %get3A_5 = arith.constant 0 : index
    %get3A_6 = arith.constant 0 : index
    %get3A_7 = vector.load %arg2[%get3A_4, %get3A_5, %get3A_6] : memref<1x1000x16xf32, #tpu.memory_space<vmem>>, vector<1x1000x1xf32>
    %get3A_8 = vector.shape_cast %get3A_7 : vector<1x1000x1xf32> to vector<1000x1xf32>
    %add3A = arith.addf %get3A_3, %get3A_8 : vector<1000x1xf32>
    %rsqrt3A = math.rsqrt %add3A : vector<1000x1xf32>
    %get3A_9 = arith.constant 0 : index
    %get3A_10 = arith.constant 0 : index
    %get3A_11 = vector.load %arg3[%get3A_9, %get3A_10] : memref<1000x128xf32, #tpu.memory_space<vmem>>, vector<1000x128xf32>
    %mul3A = vector.broadcast %rsqrt3A : vector<1000x1xf32> to vector<1000x128xf32>
    %mul3A_12 = arith.mulf %get3A_11, %mul3A : vector<1000x128xf32>
    %swap3A = arith.constant 0 : index
    %swap3A_13 = arith.constant 0 : index
    %swap3A_14 = vector.load %arg4[%swap3A, %swap3A_13] : memref<1000x128xf32, #tpu.memory_space<vmem>>, vector<1000x128xf32>
    tpu.vector_store %arg4[%swap3A, %swap3A_13], %mul3A_12 {strides = array<i32>} : memref<1000x128xf32, #tpu.memory_space<vmem>>, vector<1000x128xf32>,
    %mul3A_15 = arith.constant 5.000000e-01 : f32
    %mul3A_16 = vector.broadcast %mul3A_15 : f32 to vector<1000x128xf32>
    %mul3A_17 = arith.mulf %mul3A_12, %mul3A_16 : vector<1000x128xf32>
    %swap3A_18 = arith.constant 0 : index
    %swap3A_19 = arith.constant 0 : index
    %swap3A_20 = vector.load %arg5[%swap3A_18, %swap3A_19] : memref<1000x128xf32, #tpu.memory_space<vmem>>, vector<1000x128xf32>
    tpu.vector_store %arg5[%swap3A_18, %swap3A_19], %mul3A_17 {strides = array<i32>} : memref<1000x128xf32, #tpu.memory_space<vmem>>, vector<1000x128xf32>,
    return
  }
  func.func @transform_0(%arg0: i32) -> (i32, i32, i32) {
    %c0_i32 = arith.constant 0 : i32
    %c0_i32_0 = arith.constant 0 : i32
    %c0_i32_1 = arith.constant 0 : i32
    return %c0_i32, %arg0, %c0_i32_0 : i32, i32, i32
  }
  func.func @transform_1(%arg0: i32) -> (i32, i32, i32) {
    %c1_i32 = arith.constant 1 : i32
    %c0_i32 = arith.constant 0 : i32
    %c0_i32_0 = arith.constant 0 : i32
    return %c1_i32, %arg0, %c0_i32 : i32, i32, i32
  }
  func.func @transform_2(%arg0: i32) -> (i32, i32) {
    %c0_i32 = arith.constant 0 : i32
    %c0_i32_0 = arith.constant 0 : i32
    return %arg0, %c0_i32 : i32, i32
  }
  func.func @transform_3(%arg0: i32) -> (i32, i32) {
    %c0_i32 = arith.constant 0 : i32
    %c0_i32_0 = arith.constant 0 : i32
    return %arg0, %c0_i32 : i32, i32
  }
  func.func @transform_4(%arg0: i32) -> (i32, i32) {
    %c0_i32 = arith.constant 0 : i32
    %c0_i32_0 = arith.constant 0 : i32
    return %arg0, %c0_i32 : i32, i32
  }
}

module attributes {stable_mosaic.version = 14 : i64} {
  func.func @_final_body(%arg0: i32, %arg1: memref<1x1000x16xf32, #tpu.memory_space<vmem>>, %arg2: memref<1x1000x16xf32, #tpu.memory_space<vmem>>, %arg3: memref<1x1000x128xf32, #tpu.memory_space<vmem>>, %arg4: memref<1x1000x128xf32, #tpu.memory_space<vmem>>, %arg5: memref<1x1x1000xi32, #tpu.memory_space<vmem>>, %arg6: memref<128x300xf32, #tpu.memory_space<vmem>>, %arg7: memref<1x300xf32, #tpu.memory_space<vmem>>, %arg8: memref<1000x300xf32, #tpu.memory_space<vmem>>, %arg9: memref<16x300xf32, #tpu.memory_space<vmem>>, %arg10: memref<16x128xf32, #tpu.memory_space<vmem>>) attributes {dimension_semantics = [#tpu.dimension_semantics<arbitrary>], iteration_bounds = array<i64: 10>, scalar_prefetch = 0 : i64, scratch_operands = 1 : i64, tpu.core_type = #tpu.core_type<tc>, window_params = [{transform_indices = @transform_0, window_bounds = array<i64: 1, 1000, 16>}, {transform_indices = @transform_1, window_bounds = array<i64: 1, 1000, 16>}, {transform_indices = @transform_2, window_bounds = array<i64: 1, 1000, 128>}, {transform_indices = @transform_3, window_bounds = array<i64: 1, 1000, 128>}, {transform_indices = @transform_4, window_bounds = array<i64: 1, 1, 1000>}, {pipeline_mode = #tpu.pipeline_mode<synchronous>, transform_indices = @transform_5, window_bounds = array<i64: 128, 300>}, {pipeline_mode = #tpu.pipeline_mode<synchronous>, transform_indices = @transform_6, window_bounds = array<i64: 1, 300>}, {transform_indices = @transform_7, window_bounds = array<i64: 1000, 300>}, {pipeline_mode = #tpu.pipeline_mode<synchronous>, transform_indices = @transform_8, window_bounds = array<i64: 16, 300>}]} {
    %get3A = arith.constant 0 : index
    %get3A_0 = arith.constant 0 : index
    %get3A_1 = arith.constant 0 : index
    %get3A_2 = vector.load %arg1[%get3A, %get3A_0, %get3A_1] : memref<1x1000x16xf32, #tpu.memory_space<vmem>>, vector<1x1000x1xf32>
    %get3A_3 = vector.shape_cast %get3A_2 : vector<1x1000x1xf32> to vector<1000x1xf32>
    %get3A_4 = arith.constant 0 : index
    %get3A_5 = arith.constant 0 : index
    %get3A_6 = arith.constant 0 : index
    %get3A_7 = vector.load %arg2[%get3A_4, %get3A_5, %get3A_6] : memref<1x1000x16xf32, #tpu.memory_space<vmem>>, vector<1x1000x1xf32>
    %get3A_8 = vector.shape_cast %get3A_7 : vector<1x1000x1xf32> to vector<1000x1xf32>
    %add3A = arith.addf %get3A_3, %get3A_8 : vector<1000x1xf32>
    %rsqrt3A = math.rsqrt %add3A : vector<1000x1xf32>
    %get3A_9 = arith.constant 0 : index
    %get3A_10 = arith.constant 0 : index
    %get3A_11 = arith.constant 0 : index
    %get3A_12 = vector.load %arg3[%get3A_9, %get3A_10, %get3A_11] : memref<1x1000x128xf32, #tpu.memory_space<vmem>>, vector<1x1000x128xf32>
    %get3A_13 = vector.shape_cast %get3A_12 : vector<1x1000x128xf32> to vector<1000x128xf32>
    %get3A_14 = arith.constant 0 : index
    %get3A_15 = arith.constant 0 : index
    %get3A_16 = arith.constant 0 : index
    %get3A_17 = vector.load %arg4[%get3A_14, %get3A_15, %get3A_16] : memref<1x1000x128xf32, #tpu.memory_space<vmem>>, vector<1x1000x128xf32>
    %get3A_18 = vector.shape_cast %get3A_17 : vector<1x1000x128xf32> to vector<1000x128xf32>
    %add3A_19 = arith.addf %get3A_13, %get3A_18 : vector<1000x128xf32>
    %mul3A = vector.broadcast %rsqrt3A : vector<1000x1xf32> to vector<1000x128xf32>
    %mul3A_20 = arith.mulf %add3A_19, %mul3A : vector<1000x128xf32>
    %get3A_21 = arith.constant 0 : index
    %get3A_22 = arith.constant 0 : index
    %get3A_23 = vector.load %arg6[%get3A_21, %get3A_22] : memref<128x300xf32, #tpu.memory_space<vmem>>, vector<128x300xf32>
    %dot_general3A = arith.constant dense<0.000000e+00> : vector<1000x300xf32>
    %dot_general3A_24 = tpu.matmul %mul3A_20, %get3A_23, %dot_general3A {dimension_numbers = #tpu.dot_dimension_numbers<[1], [0], [0], [1], [0, 0, 1, 1], [], []>, precision = #tpu.contract_precision<fp32>, transpose_lhs_hint = false} : vector<1000x128xf32>, vector<128x300xf32>, vector<1000x300xf32> -> vector<1000x300xf32>
    %get3A_25 = arith.constant 0 : index
    %get3A_26 = arith.constant 0 : index
    %get3A_27 = vector.load %arg7[%get3A_25, %get3A_26] : memref<1x300xf32, #tpu.memory_space<vmem>>, vector<1x300xf32>
    %add3A_28 = vector.broadcast %get3A_27 : vector<1x300xf32> to vector<1000x300xf32>
    %add3A_29 = arith.addf %dot_general3A_24, %add3A_28 : vector<1000x300xf32>
    %max3A = arith.constant 0.000000e+00 : f32
    %max3A_30 = vector.broadcast %max3A : f32 to vector<1000x300xf32>
    %max3A_31 = arith.maximumf %add3A_29, %max3A_30 : vector<1000x300xf32>
    %swap3A = arith.constant 0 : index
    %swap3A_32 = arith.constant 0 : index
    %swap3A_33 = vector.load %arg8[%swap3A, %swap3A_32] : memref<1000x300xf32, #tpu.memory_space<vmem>>, vector<1000x300xf32>
    tpu.vector_store %arg8[%swap3A, %swap3A_32], %max3A_31 {strides = array<i32>} : memref<1000x300xf32, #tpu.memory_space<vmem>>, vector<1000x300xf32>,
    %iota3A = tpu.iota {dimensions = array<i32: 0>} : vector<16x1000xi32>
    %get3A_34 = arith.constant 0 : index
    %get3A_35 = arith.constant 0 : index
    %get3A_36 = arith.constant 0 : index
    %get3A_37 = vector.load %arg5[%get3A_34, %get3A_35, %get3A_36] : memref<1x1x1000xi32, #tpu.memory_space<vmem>>, vector<1x1x1000xi32>
    %get3A_38 = vector.shape_cast %get3A_37 : vector<1x1x1000xi32> to vector<1x1000xi32>
    %eq3A = vector.broadcast %get3A_38 : vector<1x1000xi32> to vector<16x1000xi32>
    %eq3A_39 = arith.cmpi eq, %iota3A, %eq3A : vector<16x1000xi32>
    %convert_element_type3A = arith.extui %eq3A_39 : vector<16x1000xi1> to vector<16x1000xi32>
    %convert_element_type3A_40 = arith.sitofp %convert_element_type3A : vector<16x1000xi32> to vector<16x1000xf32>
    %dot_general3A_41 = arith.constant dense<0.000000e+00> : vector<16x300xf32>
    %dot_general3A_42 = tpu.matmul %convert_element_type3A_40, %max3A_31, %dot_general3A_41 {dimension_numbers = #tpu.dot_dimension_numbers<[1], [0], [0], [1], [0, 0, 1, 1], [], []>, precision = #tpu.contract_precision<fp32>, transpose_lhs_hint = false} : vector<16x1000xf32>, vector<1000x300xf32>, vector<16x300xf32> -> vector<16x300xf32>
    %reduce_sum3A = arith.constant dense<0.000000e+00> : vector<16xf32>
    %reduce_sum3A_43 = vector.multi_reduction <add>, %convert_element_type3A_40, %reduce_sum3A [1] : vector<16x1000xf32> to vector<16xf32>
    %broadcast_in_dim3A = vector.shape_cast %reduce_sum3A_43 : vector<16xf32> to vector<16x1xf32>
    %broadcast_in_dim3A_44 = vector.shape_cast %broadcast_in_dim3A : vector<16x1xf32> to vector<16x1xf32>
    %broadcast_in_dim3A_45 = vector.broadcast %broadcast_in_dim3A_44 : vector<16x1xf32> to vector<16x128xf32>
    %eq3A_46 = arith.constant 0 : i32
    %eq3A_47 = arith.cmpi eq, %arg0, %eq3A_46 : i32
    %convert_element_type3A_48 = arith.extui %eq3A_47 : i1 to i32
    %cond3A = arith.constant 0 : i32
    %cond3A_49 = arith.cmpi ne, %convert_element_type3A_48, %cond3A : i32
    scf.if %cond3A_49 {
      %broadcast_in_dim3A_69 = arith.constant 0.000000e+00 : f32
      %broadcast_in_dim3A_70 = vector.broadcast %broadcast_in_dim3A_69 : f32 to vector<16x300xf32>
      %swap3A_71 = arith.constant 0 : index
      %swap3A_72 = arith.constant 0 : index
      %swap3A_73 = vector.load %arg9[%swap3A_71, %swap3A_72] : memref<16x300xf32, #tpu.memory_space<vmem>>, vector<16x300xf32>
      tpu.vector_store %arg9[%swap3A_71, %swap3A_72], %broadcast_in_dim3A_70 {strides = array<i32>} : memref<16x300xf32, #tpu.memory_space<vmem>>, vector<16x300xf32>,
      %broadcast_in_dim3A_74 = arith.constant 0.000000e+00 : f32
      %broadcast_in_dim3A_75 = vector.broadcast %broadcast_in_dim3A_74 : f32 to vector<16x128xf32>
      %swap3A_76 = arith.constant 0 : index
      %swap3A_77 = arith.constant 0 : index
      %swap3A_78 = vector.load %arg10[%swap3A_76, %swap3A_77] : memref<16x128xf32, #tpu.memory_space<vmem>>, vector<16x128xf32>
      tpu.vector_store %arg10[%swap3A_76, %swap3A_77], %broadcast_in_dim3A_75 {strides = array<i32>} : memref<16x128xf32, #tpu.memory_space<vmem>>, vector<16x128xf32>,
    } else {
    }
    %get3A_50 = arith.constant 0 : index
    %get3A_51 = arith.constant 0 : index
    %get3A_52 = vector.load %arg9[%get3A_50, %get3A_51] : memref<16x300xf32, #tpu.memory_space<vmem>>, vector<16x300xf32>
    %add3A_53 = arith.addf %get3A_52, %dot_general3A_42 : vector<16x300xf32>
    %swap3A_54 = arith.constant 0 : index
    %swap3A_55 = arith.constant 0 : index
    %swap3A_56 = vector.load %arg9[%swap3A_54, %swap3A_55] : memref<16x300xf32, #tpu.memory_space<vmem>>, vector<16x300xf32>
    tpu.vector_store %arg9[%swap3A_54, %swap3A_55], %add3A_53 {strides = array<i32>} : memref<16x300xf32, #tpu.memory_space<vmem>>, vector<16x300xf32>,
    %get3A_57 = arith.constant 0 : index
    %get3A_58 = arith.constant 0 : index
    %get3A_59 = vector.load %arg10[%get3A_57, %get3A_58] : memref<16x128xf32, #tpu.memory_space<vmem>>, vector<16x128xf32>
    %add3A_60 = arith.addf %get3A_59, %broadcast_in_dim3A_45 : vector<16x128xf32>
    %swap3A_61 = arith.constant 0 : index
    %swap3A_62 = arith.constant 0 : index
    %swap3A_63 = vector.load %arg10[%swap3A_61, %swap3A_62] : memref<16x128xf32, #tpu.memory_space<vmem>>, vector<16x128xf32>
    tpu.vector_store %arg10[%swap3A_61, %swap3A_62], %add3A_60 {strides = array<i32>} : memref<16x128xf32, #tpu.memory_space<vmem>>, vector<16x128xf32>,
    %eq3A_64 = arith.constant 9 : i32
    %eq3A_65 = arith.cmpi eq, %arg0, %eq3A_64 : i32
    %convert_element_type3A_66 = arith.extui %eq3A_65 : i1 to i32
    %cond3A_67 = arith.constant 0 : i32
    %cond3A_68 = arith.cmpi ne, %convert_element_type3A_66, %cond3A_67 : i32
    scf.if %cond3A_68 {
      %get3A_69 = arith.constant 0 : index
      %get3A_70 = arith.constant 0 : index
      %get3A_71 = vector.load %arg9[%get3A_69, %get3A_70] : memref<16x300xf32, #tpu.memory_space<vmem>>, vector<16x300xf32>
      %get3A_72 = arith.constant 0 : index
      %get3A_73 = arith.constant 0 : index
      %get3A_74 = vector.load %arg10[%get3A_72, %get3A_73] : memref<16x128xf32, #tpu.memory_space<vmem>>, vector<16x1xf32>
      %max3A_75 = arith.constant 1.000000e+00 : f32
      %max3A_76 = vector.broadcast %max3A_75 : f32 to vector<16x1xf32>
      %max3A_77 = arith.maximumf %get3A_74, %max3A_76 : vector<16x1xf32>
      %div3A = vector.broadcast %max3A_77 : vector<16x1xf32> to vector<16x300xf32>
      %div3A_78 = arith.divf %get3A_71, %div3A : vector<16x300xf32>
      %swap3A_79 = arith.constant 0 : index
      %swap3A_80 = arith.constant 0 : index
      %swap3A_81 = vector.load %arg9[%swap3A_79, %swap3A_80] : memref<16x300xf32, #tpu.memory_space<vmem>>, vector<16x300xf32>
      tpu.vector_store %arg9[%swap3A_79, %swap3A_80], %div3A_78 {strides = array<i32>} : memref<16x300xf32, #tpu.memory_space<vmem>>, vector<16x300xf32>,
    } else {
    }
    return
  }
  func.func @transform_0(%arg0: i32) -> (i32, i32, i32) {
    %c0_i32 = arith.constant 0 : i32
    %c0_i32_0 = arith.constant 0 : i32
    %c0_i32_1 = arith.constant 0 : i32
    return %c0_i32, %arg0, %c0_i32_0 : i32, i32, i32
  }
  func.func @transform_1(%arg0: i32) -> (i32, i32, i32) {
    %c1_i32 = arith.constant 1 : i32
    %c0_i32 = arith.constant 0 : i32
    %c0_i32_0 = arith.constant 0 : i32
    return %c1_i32, %arg0, %c0_i32 : i32, i32, i32
  }
  func.func @transform_2(%arg0: i32) -> (i32, i32, i32) {
    %c0_i32 = arith.constant 0 : i32
    %c0_i32_0 = arith.constant 0 : i32
    %c0_i32_1 = arith.constant 0 : i32
    return %c0_i32, %arg0, %c0_i32_0 : i32, i32, i32
  }
  func.func @transform_3(%arg0: i32) -> (i32, i32, i32) {
    %c1_i32 = arith.constant 1 : i32
    %c0_i32 = arith.constant 0 : i32
    %c0_i32_0 = arith.constant 0 : i32
    return %c1_i32, %arg0, %c0_i32 : i32, i32, i32
  }
  func.func @transform_4(%arg0: i32) -> (i32, i32, i32) {
    %c0_i32 = arith.constant 0 : i32
    %c0_i32_0 = arith.constant 0 : i32
    %c0_i32_1 = arith.constant 0 : i32
    return %arg0, %c0_i32, %c0_i32_0 : i32, i32, i32
  }
  func.func @transform_5(%arg0: i32) -> (i32, i32) {
    %c0_i32 = arith.constant 0 : i32
    %c0_i32_0 = arith.constant 0 : i32
    %c0_i32_1 = arith.constant 0 : i32
    return %c0_i32, %c0_i32_0 : i32, i32
  }
  func.func @transform_6(%arg0: i32) -> (i32, i32) {
    %c0_i32 = arith.constant 0 : i32
    %c0_i32_0 = arith.constant 0 : i32
    %c0_i32_1 = arith.constant 0 : i32
    return %c0_i32, %c0_i32_0 : i32, i32
  }
  func.func @transform_7(%arg0: i32) -> (i32, i32) {
    %c0_i32 = arith.constant 0 : i32
    %c0_i32_0 = arith.constant 0 : i32
    return %arg0, %c0_i32 : i32, i32
  }
  func.func @transform_8(%arg0: i32) -> (i32, i32) {
    %c0_i32 = arith.constant 0 : i32
    %c0_i32_0 = arith.constant 0 : i32
    %c0_i32_1 = arith.constant 0 : i32
    return %c0_i32, %c0_i32_0 : i32, i32
  }
}

</mosaic_0001>

<sc_bundles>
// kernel: kernel.6.cloned.1.call-start
scs
__scs_entry_jumppad:
0x0: {  	(pc) =	sbr.rel $0x88, $3  }
0x1: {  	(tag) =	ssettag $0x0;
	lr =	simm.s32 $0x1  }
0x2: {  	[smem:$0x3F9C] =	sst lr;
	_ =	strace $0xD0000000  }
0x3: {  	_ = 	snop  }
0x4: {  	_ = 	snop  }
0x5: {  	_ = 	snop  }
0x6: {  	_ = 	snop  }
0x7: {  	_ = 	snop  }
__scs_overlays_trampoline_lowered:
0x8: {  	[smem:$0x3FAB] =	sst s0  }
0x9: {  	[smem:$0x3FAC] =	sst s1  }
0xa: {  	[smem:$0x3FAD] =	sst s2  }
0xb: {  	[smem:$0x3FAE] =	sst s3  }
0xc: {  	[smem:$0x3FAF] =	sst s4  }
0xd: {  	[smem:$0x3FB0] =	sst s5  }
0xe: {  	[smem:$0x3FB1] =	sst s6  }
0xf: {  	[smem:$0x3FB2] =	sst s7  }
0x10: {  	[smem:$0x3FB3] =	sst s8  }
0x11: {  	[smem:$0x3FB4] =	sst s9;
	s0 =	simm.s32 @!p0 $0x0  }
0x12: {  	s1 =	sld [smem:$0x3F9A];
	s0 =	simm.s32 @p0 $0x1  }
0x13: {  	[smem:$0x3FB5] =	sst s0;
	s0 =	simm.s32 @!p1 $0x0  }
0x14: {  	s2 =	sld [smem:$0x3F99];
	s0 =	simm.s32 @p1 $0x1  }
0x15: {  	[smem:$0x3FB6] =	sst s0;
	s0 =	simm.s32 @!p2 $0x0  }
0x16: {  	s3 =	sld [smem:$0x3FDB];
	s0 =	simm.s32 @p2 $0x1  }
0x17: {  	s4 =	simm.s32 $0x1BF5;
	[smem:$0x3FB8] =	sst s0  }
0x18: {  	s0 =	sld [smem:$0x3F9B];
	_ =	swait.ge [sflag:s4], $0x0  }
0x19: {  	s7 =	sld [smem:$0x3F9C]  }
0x1a: {  	s8 =	sadd.s32 $0xFFFFE003, lr  }
0x1b: {  	s9 =	sadd.s32 $0xFFFFFEF7, lr;
	s5 =	simm.s32 $0xFFFFFFFF;
	p2 =	slt.u32 s8, $0xFFFFF086  }
0x1c: {  	p1 =	slt.u32 s9, $0xF7A;
	s5 =	simm.s32 @!p2 $0x0  }
0x1d: {  	s5 =	simm.s32 @p1 $0x1;
	p0 =	seq.s32 s7, s2  }
0x1e: {  	s7 =	smul.u32 @!p0 $0xF7A, s2;
	p2 =	seq.s32 @!p0 s5, $0x0  }
0x1f: {  	s9 =	smul.u32 $0xF7A, s1;
	s8 =	simm.s32 @!p0 $0x1BF5;
	p2 =	por !p2, p0  }
0x20: {  	[sflag:s8] =	ssyncset.s32 @!p0 $0xFFFFF086;
	s6 =	sadd.s32 @!p0 s3, s7;
	s7 =	simm.s32 @!p0 $0x108  }
0x21: {  	s3 =	sadd.s32 s3, s9;
	s6 =	sadd.s32 @!p0 $0x88, s6;
	s7 =	simm.s32 @p2 $0x1082  }
0x22: {  	[simem:s7], [sflag:s8] =	dma.local @!p0 [hbm:s6], $0xF7A  }
0x23: {  	s9 =	sor.u32 $0xD0000000, s2;
	s6 =	simm.s32 $0x108;
	_ =	swait.ge @!p0 [sflag:s8], $0x0  }
0x24: {  	s3 =	sadd.s32 $0x88, s3;
	s6 =	simm.s32 @!p1 $0x1082;
	[sflag:s4] =	ssyncset.s32 $0xFFFFF086  }
0x25: {  	[simem:s6], [sflag:s4] =	dma.local [hbm:s3], $0xF7A  }
0x26: {  	[smem:$0x3F9C] =	sst s1;
	(tag) =	ssettag s2;
	_ =	strace s9  }
0x27: {  	s1 =	sld [smem:$0x3FAC]  }
0x28: {  	s2 =	sld [smem:$0x3FAD]  }
0x29: {  	s4 =	sld [smem:$0x3FAF]  }
0x2a: {  	p0 =	seq.s32 s5, $0x0;
	s5 =	sld [smem:$0x3FB0]  }
0x2b: {  	s6 =	sld [smem:$0x3FB1]  }
0x2c: {  	s7 =	sld [smem:$0x3FB2]  }
0x2d: {  	s3 =	simm.s32 $0x108;
	s8 =	sld [smem:$0x3FB3]  }
0x2e: {  	s3 =	simm.s32 @!p0 $0x1082;
	s9 =	sld [smem:$0x3FB4]  }
0x2f: {  	lr =	sadd.s32 s0, s3;
	s0 =	sld [smem:$0x3FAB]  }
0x30: {  	s3 =	sld [smem:$0x3FAE]  }
0x31: {  	[smem:$0x3FB7] =	sst s10  }
0x32: {  	s10 =	sld [smem:$0x3FB5];
	_ =	sdelay $0x3  }
0x33: {  	p0 =	seq.s32 s10, $0x1;
	s10 =	sld [smem:$0x3FB7];
	_ =	sdelay $0x3  }
0x34: {  	[smem:$0x3FB7] =	sst s10  }
0x35: {  	s10 =	sld [smem:$0x3FB6];
	_ =	sdelay $0x3  }
0x36: {  	p1 =	seq.s32 s10, $0x1;
	s10 =	sld [smem:$0x3FB7];
	_ =	sdelay $0x3  }
0x37: {  	[smem:$0x3FB7] =	sst s10  }
0x38: {  	s10 =	sld [smem:$0x3FB8]  }
0x39: {  	_ = 	snop;
	(pc) =	sbr.ind lr, $3  }
0x3a: {  	_ = 	snop  }
0x3b: {  	_ = 	snop  }
0x3c: {  	p2 =	seq.s32 s10, $0x1;
	s10 =	sld [smem:$0x3FB7]  }
0x3d: {  	_ =	shalt  }
0x3e: {  	_ =	shalt  }
0x3f: {  	_ =	shalt  }
0x40: {  	_ =	shalt  }
0x41: {  	_ =	shalt  }
0x42: {  	_ =	shalt  }
0x43: {  	_ =	shalt  }
0x44: {  	_ =	shalt  }
0x45: {  	_ =	shalt  }
0x46: {  	_ =	shalt  }
0x47: {  	_ =	shalt  }
0x48: {  	_ =	shalt  }
0x49: {  	_ =	shalt  }
0x4a: {  	_ =	shalt  }
0x4b: {  	_ =	shalt  }
0x4c: {  	_ =	shalt  }
0x4d: {  	_ =	shalt  }
0x4e: {  	_ =	shalt  }
0x4f: {  	_ =	shalt  }
0x50: {  	_ =	shalt  }
0x51: {  	_ =	shalt  }
0x52: {  	_ =	shalt  }
0x53: {  	_ =	shalt  }
0x54: {  	_ =	shalt  }
0x55: {  	_ =	shalt  }
0x56: {  	_ =	shalt  }
0x57: {  	_ =	shalt  }
0x58: {  	_ =	shalt  }
0x59: {  	_ =	shalt  }
0x5a: {  	_ =	shalt  }
0x5b: {  	_ =	shalt  }
0x5c: {  	_ =	shalt  }
0x5d: {  	_ =	shalt  }
0x5e: {  	_ =	shalt  }
0x5f: {  	_ =	shalt  }
0x60: {  	_ =	shalt  }
0x61: {  	_ =	shalt  }
0x62: {  	_ =	shalt  }
0x63: {  	_ =	shalt  }
0x64: {  	_ =	shalt  }
0x65: {  	_ =	shalt  }
0x66: {  	_ =	shalt  }
0x67: {  	_ =	shalt  }
0x68: {  	_ =	shalt  }
0x69: {  	_ =	shalt  }
0x6a: {  	_ =	shalt  }
0x6b: {  	_ =	shalt  }
0x6c: {  	_ =	shalt  }
0x6d: {  	_ =	shalt  }
0x6e: {  	_ =	shalt  }
0x6f: {  	_ =	shalt  }
0x70: {  	_ =	shalt  }
0x71: {  	_ =	shalt  }
0x72: {  	_ =	shalt  }
0x73: {  	_ =	shalt  }
0x74: {  	_ =	shalt  }
0x75: {  	_ =	shalt  }
0x76: {  	_ =	shalt  }
0x77: {  	_ =	shalt  }
0x78: {  	_ =	shalt  }
0x79: {  	_ =	shalt  }
0x7a: {  	_ =	shalt  }
0x7b: {  	_ =	shalt  }
0x7c: {  	_ =	shalt  }
0x7d: {  	_ =	shalt  }
0x7e: {  	_ =	shalt  }
0x7f: {  	_ =	shalt  }
0x80: {  	_ =	shalt  }
0x81: {  	_ =	shalt  }
0x82: {  	_ =	shalt  }
0x83: {  	_ =	shalt  }
0x84: {  	_ =	shalt  }
0x85: {  	_ =	shalt  }
0x86: {  	_ =	shalt  }
0x87: {  	_ =	shalt  }
.Lfunc_end0:
.L_simem_size_0:
called_computation_lowered:
.L_overlay_start_0:
0x88: {  	s2 =	sld [smem:$0x3FD9]  }
0x89: {  	s3 =	sld [smem:$0x3FFE];
	_ =	sdelay $0x1  }
0x8a: {  	s1 =	srdreg.scid  }
0x8b: {  	s0 =	sand.u32 $0x1, s1  }
0x8c: {  	s16 =	sshll.u32 s0, $0xA;
	s2 =	sadd.s32 s3, s2  }
0x8d: {  	s2 =	sadd.s32 s2, s16  }
0x8e: {  	[smem:$0x3FC3] =	sst s2  }
0x8f: {  	_ = 	snop  }
0x90: {  	(tm) =	ssettm $0x1  }
0x91: {  	s17 =	sld [smem:$0x3FFB];
	_ =	sdelay $0x3  }
0x92: {  	_ =	strace s17  }
0x93: {  	s2 =	sld [smem:$0x3FFC];
	_ =	sdelay $0x3  }
0x94: {  	_ =	strace s2  }
0x95: {  	s2 =	sld [smem:$0x3FFD];
	_ =	sdelay $0x3  }
0x96: {  	_ =	strace s2  }
0x97: {  	_ =	strace $0x8FFFFFFF  }
0x98: {  	s18 =	sld [smem:$0x3FDB];
	_ =	sdelay $0x1  }
0x99: {  	s19 =	simm.s32 $_scs_section_size  }
0x9a: {  	s4 =	simm.s32 $_size__tile_overlayer_lowered;
	s5 =	simm.s32 $_tile_overlayer_lowered  }
0x9b: {  	s22 =	simm.s32 $0x1BFF;
	s21 =	sshll.u32 s5, $0x1;
	s2 =	sadd.s32 s19, s18  }
0x9c: {  	s6 =	simm.s32 $0x0;
	s20 =	sshll.u32 s4, $0x1;
	s4 =	sadd.s32 s21, s2  }
0x9d: {  	[timem:s6], [sflag:s22] =	dma.local [hbm:s4], s20  }
0x9e: {  	_ =	swait.ge [sflag:s22], s20  }
0x9f: {  	s3 =	ssub.s32 $0x0, s20;
	[sflag:s22] =	ssyncset.done $0x0  }
0xa0: {  	[sflag:s22] =	ssyncadd.s32 s3;
	_ =	sdelay $0x1  }
0xa1: {  	s23 =	simm.s32 $0x1B8B  }
0xa2: {  	_ =	swait.ge [sflag:s23], $0x1  }
0xa3: {  	[sflag:s23] =	ssyncset.done $0x0  }
0xa4: {  	s25 =	simm.s32 $0x1B8E;
	s24 =	sld [smem:$0x3FFE];
	[sflag:s23] =	ssyncadd.s32 $0xFFFFFFFF  }
0xa5: {  	s26 =	simm.s32 $execute0_lowered;
	[smem:$0x3FD2] =	sst s25  }
0xa6: {  	s4 =	sshll.u32 s26, $0x1;
	_ =	strace $0x80000046;
	[dreg:$0x1] =	wrdreg $0xFFFFFFFF  }
0xa7: {  	s28 =	simm.s32 $_size_execute0_lowered;
	s2 =	sadd.s32 s2, s4;
	[dreg:$0x0] =	wrdreg $0x0  }
0xa8: {  	s4 =	sshll.u32 s28, $0x1;
	[dreg:$0x2] =	wrdreg s2  }
0xa9: {  	[dreg:$0x3] =	wrdreg s4  }
0xaa: {  	[dreg:$0x4] =	wrdreg $0xC0  }
0xab: {  	_ =	task [dreg:s6], $0x5FFFF  }
0xac: {  	[dreg:$0x1] =	wrdreg $0xFFFFFFFF  }
0xad: {  	[dreg:$0x0] =	wrdreg $0x60  }
0xae: {  	[dreg:$0x2] =	wrdreg s24  }
0xaf: {  	[dreg:$0x3] =	wrdreg $0x7C000  }
0xb0: {  	[dreg:$0x4] =	wrdreg $0x9  }
0xb1: {  	_ =	task.clear_ibuf [dreg:s6], $0x5FFFF;
	_ =	strace $0x90000046  }
0xb2: {  	s29 =	simm.s32 $0x9;
	_ =	strace $0x80000048  }
0xb3: {  	_ =	swait.ge [sflag:s29], $0x1  }
0xb4: {  	[sflag:s29] =	ssyncadd.s32 $0xFFFFFFFF  }
0xb5: {  	_ =	strace $0x90000048  }
0xb6: {  	_ =	sfence  }
0xb7: {  	s30 =	sld [smem:$0x0];
	_ =	sdelay $0x2  }
0xb8: {  	s31 =	sshll.u32 s1, $0xD;
	s1 =	sshrl.u32 s1, $0x2  }
0xb9: {  	s3 =	sand.u32 $0x4000, s31;
	s1 =	sadd.s32 s1, s30  }
0xba: {  	s0 =	sor.u32 s3, s0;
	s1 =	sshll.u32 s1, $0x11  }
0xbb: {  	s0 =	sor.u32 s1, s0  }
0xbc: {  	s0 =	sadd.s32 $0x8F2B, s0  }
0xbd: {  	[sflag:s0] =	ssyncadd.remote.s32 $0x1  }
0xbe: {  	_ =	sfence.sel $0xFFFF  }
0xbf: {  	[dreg:$0x0] =	wrdreg $0xFFFFFFFF;
	(pc) =	sbr.abs _section_cstart, $3  }
0xc0: {  	[dreg:$0x1] =	wrdreg $0xFFFFFFFF  }
0xc1: {  	_ =	task.clear_ibuf [dreg:s6], $0x2FFFF;
	_ =	strace $0x9FFFFFFF  }
0xc2: {  	(tm) =	ssettm $0x7FFFFFFF  }
0xc3: {  	_ =	shalt  }
tec
execute0_lowered:
.L_overlay_start_1:
0x0: {  	(tag) =	ssettag $0x1  }
0x1: {  	s1 =	srdreg.scid;
	s4 =	rddreg [dreg:$0x0]  }
0x2: {  	s0 =	stileid.u32;
	s2 =	rddreg [dreg:$0x1];
	s3 =	simm.s32 $0x0  }
0x3: {  	s23 =	simm.s32 $0x6800;
	s26 =	simm.s32 $0x2800;
	s28 =	simm.s32 $0x1  }
0x4: {  	s29 =	simm.s32 $0x0;
	s5 =	sand.u32 $0x1, s1;
	s7 =	smul.u32 $0x4E000, s0  }
0x5: {  	s30 =	sshll.u32 s0, $0x1;
	s1 =	rddreg [dreg:$0x2];
	s24 =	smul.u32 $0x2700, s0  }
0x6: {  	[smem:$0x7FF] =	sst s3;
	s6 =	sor.u32 s5, s30;
	s8 =	smul.u32 $0x27100, s5  }
0x7: {  	_ =	strace $0x80000047;
	s5 =	ssub.s32 $0x2, s5;
	s6 =	smul.u32 $0x500, s6  }
0x8: {  	s7 =	sshrl.u32 s7, $0x2;
	s31 =	sshrl.u32 s5, $0x1;
	s21 =	sadd.s32 s8, s4  }
0x9: {  	s22 =	ssub.s32 s5, s31;
	s6 =	sadd.s32 s6, s4;
	s4 =	sadd.s32 s7, s2  }
0xa: {  	s25 =	sadd.s32 $0xC400, s21;
	s21 =	smax.u32 s22, $0x1;
	s22 =	simm.s32 $0x2  }
0xb: {  	s5 =	sadd.s32 $0x2400, s6;
	s6 =	sadd.s32 $0x1400, s4;
	s7 =	sadd.s32 $0x2800, s4  }
0xc: {  	s8 =	sadd.s32 $0x3C00, s4;
	s9 =	sadd.s32 $0x5000, s4;
	s10 =	sadd.s32 $0x6400, s4  }
0xd: {  	s11 =	sadd.s32 $0x7800, s4;
	s12 =	sadd.s32 $0x8C00, s4;
	s13 =	sadd.s32 $0xA000, s4  }
0xe: {  	s14 =	sadd.s32 $0xB400, s4;
	s15 =	sadd.s32 $0xC800, s4;
	s16 =	sadd.s32 $0xDC00, s4  }
0xf: {  	s17 =	sadd.s32 $0xF000, s4;
	s18 =	sadd.s32 $0x10400, s4;
	s19 =	sadd.s32 $0x11800, s4  }
0x10: {  	v0 =	vimm.f32 $1.000000000e+00;
	v1 =	vimm.f32 $5.000000000e-01;
	s20 =	sadd.s32 $0x12C00, s4;
	s24 =	sadd.s32 s24, s25;
	s25 =	simm.s32 $0x7D  }
.LBB2_1:
0x11: {  	[tilespmem:s3], [sflag:$0x2] =	stream.linear.gather [hbm4b:s5+s3], $0x2800, $0x38;
	[tilespmem:$0xA310] =	vst v63  }
0x12: {  	_ =	swait.ge [sflag:s22], $0x2800  }
0x13: {  	[sflag:s22] =	ssyncset.done $0x0  }
0x14: {  	s30 =	simm.s32 $0x200;
	s31 =	simm.s32 $0x0;
	[sflag:s22] =	ssyncadd.s32 $0xFFFFD800  }
.LBB2_2:
0x15: {  	p0 =	sne.s32 s30, $0xF800;
	[tilespmem:s31+$0x2800] =	vst v0;
	s31 =	smov.u32 s30;
	s30 =	sadd.s32 $0x200, s30  }
.Ltmp0:
0x16: {  	(pc) =	sbr.rel @p0 .LBB2_2-.Ltmp0, $2  }
0x17: {  	_ =	sdelay $0x2  }
0x18: {  	s31 =	sshra.s32 s31, $0x2  }
0x19: {  	[tilespmem:s31+$0x2800] =	vst v0  }
0x1a: {  	[tilespmem:$0x6800] =	vst v1  }
0x1b: {  	[tilespmem:$0x6880] =	vst v1  }
0x1c: {  	[tilespmem:$0x6900] =	vst v1  }
0x1d: {  	[tilespmem:$0x6980] =	vst v1  }
0x1e: {  	[tilespmem:$0x6A00] =	vst v1  }
0x1f: {  	[tilespmem:$0x6A80] =	vst v1  }
0x20: {  	[tilespmem:$0x6B00] =	vst v1  }
0x21: {  	[tilespmem:$0x6B80] =	vst v1  }
0x22: {  	[tilespmem:$0x6C00] =	vst v1  }
0x23: {  	[tilespmem:$0x6C80] =	vst v1  }
0x24: {  	[tilespmem:$0x6D00] =	vst v1  }
0x25: {  	[tilespmem:$0x6D80] =	vst v1  }
0x26: {  	[tilespmem:$0x6E00] =	vst v1  }
0x27: {  	[tilespmem:$0x6E80] =	vst v1  }
0x28: {  	[tilespmem:$0x6F00] =	vst v1  }
0x29: {  	[tilespmem:$0x6F80] =	vst v1  }
0x2a: {  	[tilespmem:$0x7000] =	vst v1  }
0x2b: {  	[tilespmem:$0x7080] =	vst v1  }
0x2c: {  	[tilespmem:$0x7100] =	vst v1  }
0x2d: {  	[tilespmem:$0x7180] =	vst v1  }
0x2e: {  	[tilespmem:$0x7200] =	vst v1  }
0x2f: {  	[tilespmem:$0x7280] =	vst v1  }
0x30: {  	[tilespmem:$0x7300] =	vst v1  }
0x31: {  	[tilespmem:$0x7380] =	vst v1  }
0x32: {  	[tilespmem:$0x7400] =	vst v1  }
0x33: {  	[tilespmem:$0x7480] =	vst v1  }
0x34: {  	[tilespmem:$0x7500] =	vst v1  }
0x35: {  	[tilespmem:$0x7580] =	vst v1  }
0x36: {  	[tilespmem:$0x7600] =	vst v1  }
0x37: {  	[tilespmem:$0x7680] =	vst v1  }
0x38: {  	[tilespmem:$0x7700] =	vst v1  }
0x39: {  	[tilespmem:$0x7780] =	vst v1  }
0x3a: {  	[tilespmem:$0x7800] =	vst v1  }
0x3b: {  	[tilespmem:$0x7880] =	vst v1  }
0x3c: {  	[tilespmem:$0x7900] =	vst v1  }
0x3d: {  	[tilespmem:$0x7980] =	vst v1  }
0x3e: {  	[tilespmem:$0x7A00] =	vst v1  }
0x3f: {  	[tilespmem:$0x7A80] =	vst v1  }
0x40: {  	[tilespmem:$0x7B00] =	vst v1  }
0x41: {  	[tilespmem:$0x7B80] =	vst v1  }
0x42: {  	[spmem:s4] =	stream.linear.scatter [tilespmem:s23], [sflag:$0x2], $0x1400, $0x38;
	[tilespmem:$0xA310] =	vst v63  }
0x43: {  	_ =	swait.ge [sflag:s22], $0x1400  }
0x44: {  	[sflag:s22] =	ssyncset.done $0x0  }
0x45: {  	[sflag:s22] =	ssyncadd.s32 $0xFFFFEC00  }
0x46: {  	[spmem:s6] =	stream.linear.scatter [tilespmem:s23], [sflag:$0x2], $0x1400, $0x38;
	[tilespmem:$0xA310] =	vst v63  }
0x47: {  	_ =	swait.ge [sflag:s22], $0x1400  }
0x48: {  	[sflag:s22] =	ssyncset.done $0x0  }
0x49: {  	[sflag:s22] =	ssyncadd.s32 $0xFFFFEC00  }
0x4a: {  	[spmem:s7] =	stream.linear.scatter [tilespmem:s23], [sflag:$0x2], $0x1400, $0x38;
	[tilespmem:$0xA310] =	vst v63  }
0x4b: {  	_ =	swait.ge [sflag:s22], $0x1400  }
0x4c: {  	[sflag:s22] =	ssyncset.done $0x0  }
0x4d: {  	[sflag:s22] =	ssyncadd.s32 $0xFFFFEC00  }
0x4e: {  	[spmem:s8] =	stream.linear.scatter [tilespmem:s23], [sflag:$0x2], $0x1400, $0x38;
	[tilespmem:$0xA310] =	vst v63  }
0x4f: {  	_ =	swait.ge [sflag:s22], $0x1400  }
0x50: {  	[sflag:s22] =	ssyncset.done $0x0  }
0x51: {  	[sflag:s22] =	ssyncadd.s32 $0xFFFFEC00  }
0x52: {  	[spmem:s9] =	stream.linear.scatter [tilespmem:s23], [sflag:$0x2], $0x1400, $0x38;
	[tilespmem:$0xA310] =	vst v63  }
0x53: {  	_ =	swait.ge [sflag:s22], $0x1400  }
0x54: {  	[sflag:s22] =	ssyncset.done $0x0  }
0x55: {  	[sflag:s22] =	ssyncadd.s32 $0xFFFFEC00  }
0x56: {  	[spmem:s10] =	stream.linear.scatter [tilespmem:s23], [sflag:$0x2], $0x1400, $0x38;
	[tilespmem:$0xA310] =	vst v63  }
0x57: {  	_ =	swait.ge [sflag:s22], $0x1400  }
0x58: {  	[sflag:s22] =	ssyncset.done $0x0  }
0x59: {  	[sflag:s22] =	ssyncadd.s32 $0xFFFFEC00  }
0x5a: {  	[spmem:s11] =	stream.linear.scatter [tilespmem:s23], [sflag:$0x2], $0x1400, $0x38;
	[tilespmem:$0xA310] =	vst v63  }
0x5b: {  	_ =	swait.ge [sflag:s22], $0x1400  }
0x5c: {  	[sflag:s22] =	ssyncset.done $0x0  }
0x5d: {  	[sflag:s22] =	ssyncadd.s32 $0xFFFFEC00  }
0x5e: {  	[spmem:s12] =	stream.linear.scatter [tilespmem:s23], [sflag:$0x2], $0x1400, $0x38;
	[tilespmem:$0xA310] =	vst v63  }
0x5f: {  	_ =	swait.ge [sflag:s22], $0x1400  }
0x60: {  	[sflag:s22] =	ssyncset.done $0x0  }
0x61: {  	[sflag:s22] =	ssyncadd.s32 $0xFFFFEC00  }
0x62: {  	[spmem:s13] =	stream.linear.scatter [tilespmem:s23], [sflag:$0x2], $0x1400, $0x38;
	[tilespmem:$0xA310] =	vst v63  }
0x63: {  	_ =	swait.ge [sflag:s22], $0x1400  }
0x64: {  	[sflag:s22] =	ssyncset.done $0x0  }
0x65: {  	[sflag:s22] =	ssyncadd.s32 $0xFFFFEC00  }
0x66: {  	[spmem:s14] =	stream.linear.scatter [tilespmem:s23], [sflag:$0x2], $0x1400, $0x38;
	[tilespmem:$0xA310] =	vst v63  }
0x67: {  	_ =	swait.ge [sflag:s22], $0x1400  }
0x68: {  	[sflag:s22] =	ssyncset.done $0x0  }
0x69: {  	[sflag:s22] =	ssyncadd.s32 $0xFFFFEC00  }
0x6a: {  	[spmem:s15] =	stream.linear.scatter [tilespmem:s23], [sflag:$0x2], $0x1400, $0x38;
	[tilespmem:$0xA310] =	vst v63  }
0x6b: {  	_ =	swait.ge [sflag:s22], $0x1400  }
0x6c: {  	[sflag:s22] =	ssyncset.done $0x0  }
0x6d: {  	[sflag:s22] =	ssyncadd.s32 $0xFFFFEC00  }
0x6e: {  	[spmem:s16] =	stream.linear.scatter [tilespmem:s23], [sflag:$0x2], $0x1400, $0x38;
	[tilespmem:$0xA310] =	vst v63  }
0x6f: {  	_ =	swait.ge [sflag:s22], $0x1400  }
0x70: {  	[sflag:s22] =	ssyncset.done $0x0  }
0x71: {  	[sflag:s22] =	ssyncadd.s32 $0xFFFFEC00  }
0x72: {  	[spmem:s17] =	stream.linear.scatter [tilespmem:s23], [sflag:$0x2], $0x1400, $0x38;
	[tilespmem:$0xA310] =	vst v63  }
0x73: {  	_ =	swait.ge [sflag:s22], $0x1400  }
0x74: {  	[sflag:s22] =	ssyncset.done $0x0  }
0x75: {  	[sflag:s22] =	ssyncadd.s32 $0xFFFFEC00  }
0x76: {  	[spmem:s18] =	stream.linear.scatter [tilespmem:s23], [sflag:$0x2], $0x1400, $0x38;
	[tilespmem:$0xA310] =	vst v63  }
0x77: {  	_ =	swait.ge [sflag:s22], $0x1400  }
0x78: {  	[sflag:s22] =	ssyncset.done $0x0  }
0x79: {  	[sflag:s22] =	ssyncadd.s32 $0xFFFFEC00  }
0x7a: {  	[spmem:s19] =	stream.linear.scatter [tilespmem:s23], [sflag:$0x2], $0x1400, $0x38;
	[tilespmem:$0xA310] =	vst v63  }
0x7b: {  	_ =	swait.ge [sflag:s22], $0x1400  }
0x7c: {  	[sflag:s22] =	ssyncset.done $0x0  }
0x7d: {  	[sflag:s22] =	ssyncadd.s32 $0xFFFFEC00  }
0x7e: {  	[spmem:s20] =	stream.linear.scatter [tilespmem:s23], [sflag:$0x2], $0x1400, $0x38;
	[tilespmem:$0xA310] =	vst v63  }
0x7f: {  	_ =	swait.ge [sflag:s22], $0x1400  }
0x80: {  	[sflag:s22] =	ssyncset.done $0x0  }
0x81: {  	[sflag:s22] =	ssyncadd.s32 $0xFFFFEC00  }
0x82: {  	s30 =	simm.s32 $0x0;
	[bflag:$0x0] =	sbarrier.arrive $0xFFFF  }
.LBB2_4:
0x83: {  	p0 =	sne.s32 s30, $0x9E00  }
.Ltmp1:
0x84: {  	_ = 	snop;
	(pc) =	sbr.rel @p0 .LBB2_4-.Ltmp1, $3  }
0x85: {  	_ =	sdelay $0x1  }
0x86: {  	s31 =	sshra.s32 s30, $0x2;
	s30 =	sadd.s32 $0x200, s30  }
0x87: {  	[spmem:s2] =	stream.indirect.scatter.add.f32 [tilespmem:s26], [sflag:$0x1], $0x10, s31, s25, $0xb8;
	[tilespmem:$0xA310] =	vst v63  }
0x88: {  	_ =	swait.ge [sflag:s28], $0x7D0  }
0x89: {  	s30 =	simm.s32 $0x4F;
	[sflag:s28] =	ssyncset.done $0x0  }
.LBB2_6:
0x8a: {  	p0 =	sne.s32 s30, $0x1;
	s30 =	sadd.s32 $0xFFFFFFFF, s30;
	[sflag:s28] =	ssyncadd.s32 $0xFFFFF830  }
.Ltmp2:
0x8b: {  	(pc) =	sbr.rel @p0 .LBB2_6-.Ltmp2, $3  }
0x8c: {  	_ =	sdelay $0x1  }
0x8d: {  	_ =	swait.ge [sflag:s28], $0x7D0  }
0x8e: {  	[sflag:s28] =	ssyncset.done $0x0  }
0x8f: {  	[sflag:s28] =	ssyncadd.s32 $0xFFFFF830;
	s29 =	sadd.s32 $0x1, s29  }
0x90: {  	s30 =	sshll.u32 s0, $0x6;
	s31 =	sshrl.u32 s4, $0x3;
	p0 =	sne.s32 s29, s21  }
.Ltmp3:
0x91: {  	[bflag:$0x0] =	sbarrier.arrive $0xFFFF;
	s30 =	sor.u32 $0x1C02, s30;
	(pc) =	sbr.rel @p0 .LBB2_1-.Ltmp3, $4  }
0x92: {  	[hbm:s24], [sflag:s30] =	dma.local [spmem:s31], $0x2800  }
0x93: {  	_ =	swait.ge [sflag:s22], $0x2800  }
0x94: {  	[sflag:s22] =	ssyncset.done $0x0  }
0x95: {  	[sflag:s22] =	ssyncadd.s32 $0xFFFFD800  }
0x96: {  	_ =	sfence.sel $0x180000  }
0x97: {  	[bflag:$0x0] =	sbarrier.arrive $0xFFFF  }
0x98: {  	p0 =	sne.s32 s0, $0x0;
	_ =	strace $0x90000047  }
0x99: {  	s0 =	sadd.s32 @!p0 $0x100000, s1;
	[bflag:$0x2] =	sbarrier.arrive $0xFFFF  }
0x9a: {  	[sflag:s0] =	ssyncadd.tile.s32 @!p0 $0x1;
	_ =	shalt  }
.Lfunc_end2:
_tile_overlayer_lowered:
.L_overlay_start_2:
0x9b: {  	(tag) =	ssettag $0x2  }
0x9c: {  	s0 =	rddreg [dreg:$0x0];
	s2 =	stileid.u32  }
0x9d: {  	s1 =	rddreg [dreg:$0x1];
	p0 =	sne.s32 s2, $0x0  }
0x9e: {  	s3 =	rddreg [dreg:$0x2];
	[bflag:$0x3] =	sbarrier.arrive $0xFFFF;
	s2 =	simm.s32 @!p0 $0x1C02  }
0x9f: {  	[timem:s3], [sflag:s2] =	dma.local @!p0 [hbm:s0], s1  }
0xa0: {  	s0 =	simm.s32 @!p0 $0x2  }
0xa1: {  	_ =	swait.ge @!p0 [sflag:s0], s1  }
0xa2: {  	s1 =	ssub.s32 @!p0 $0x0, s1;
	[sflag:s0] =	ssyncset.done @!p0 $0x0  }
0xa3: {  	[sflag:s0] =	ssyncadd.s32 @!p0 s1  }
0xa4: {  	[bflag:$0x3] =	sbarrier.arrive $0xFFFF  }
0xa5: {  	_ =	shalt  }

// kernel: kernel.9.cloned.1.call-start
scs
__scs_entry_jumppad:
0x0: {  	(pc) =	sbr.rel $0x88, $3  }
0x1: {  	(tag) =	ssettag $0x0;
	lr =	simm.s32 $0x1  }
0x2: {  	[smem:$0x3F9C] =	sst lr;
	_ =	strace $0xD0000000  }
0x3: {  	_ = 	snop  }
0x4: {  	_ = 	snop  }
0x5: {  	_ = 	snop  }
0x6: {  	_ = 	snop  }
0x7: {  	_ = 	snop  }
__scs_overlays_trampoline_lowered:
0x8: {  	[smem:$0x3FAB] =	sst s0  }
0x9: {  	[smem:$0x3FAC] =	sst s1  }
0xa: {  	[smem:$0x3FAD] =	sst s2  }
0xb: {  	[smem:$0x3FAE] =	sst s3  }
0xc: {  	[smem:$0x3FAF] =	sst s4  }
0xd: {  	[smem:$0x3FB0] =	sst s5  }
0xe: {  	[smem:$0x3FB1] =	sst s6  }
0xf: {  	[smem:$0x3FB2] =	sst s7  }
0x10: {  	[smem:$0x3FB3] =	sst s8  }
0x11: {  	[smem:$0x3FB4] =	sst s9;
	s0 =	simm.s32 @!p0 $0x0  }
0x12: {  	s1 =	sld [smem:$0x3F9A];
	s0 =	simm.s32 @p0 $0x1  }
0x13: {  	[smem:$0x3FB5] =	sst s0;
	s0 =	simm.s32 @!p1 $0x0  }
0x14: {  	s2 =	sld [smem:$0x3F99];
	s0 =	simm.s32 @p1 $0x1  }
0x15: {  	[smem:$0x3FB6] =	sst s0;
	s0 =	simm.s32 @!p2 $0x0  }
0x16: {  	s3 =	sld [smem:$0x3FDB];
	s0 =	simm.s32 @p2 $0x1  }
0x17: {  	s4 =	simm.s32 $0x1BF5;
	[smem:$0x3FB8] =	sst s0  }
0x18: {  	s0 =	sld [smem:$0x3F9B];
	_ =	swait.ge [sflag:s4], $0x0  }
0x19: {  	s7 =	sld [smem:$0x3F9C]  }
0x1a: {  	s8 =	sadd.s32 $0xFFFFE003, lr  }
0x1b: {  	s9 =	sadd.s32 $0xFFFFFEF7, lr;
	s5 =	simm.s32 $0xFFFFFFFF;
	p2 =	slt.u32 s8, $0xFFFFF086  }
0x1c: {  	p1 =	slt.u32 s9, $0xF7A;
	s5 =	simm.s32 @!p2 $0x0  }
0x1d: {  	s5 =	simm.s32 @p1 $0x1;
	p0 =	seq.s32 s7, s2  }
0x1e: {  	s7 =	smul.u32 @!p0 $0xF7A, s2;
	p2 =	seq.s32 @!p0 s5, $0x0  }
0x1f: {  	s9 =	smul.u32 $0xF7A, s1;
	s8 =	simm.s32 @!p0 $0x1BF5;
	p2 =	por !p2, p0  }
0x20: {  	[sflag:s8] =	ssyncset.s32 @!p0 $0xFFFFF086;
	s6 =	sadd.s32 @!p0 s3, s7;
	s7 =	simm.s32 @!p0 $0x108  }
0x21: {  	s3 =	sadd.s32 s3, s9;
	s6 =	sadd.s32 @!p0 $0x88, s6;
	s7 =	simm.s32 @p2 $0x1082  }
0x22: {  	[simem:s7], [sflag:s8] =	dma.local @!p0 [hbm:s6], $0xF7A  }
0x23: {  	s9 =	sor.u32 $0xD0000000, s2;
	s6 =	simm.s32 $0x108;
	_ =	swait.ge @!p0 [sflag:s8], $0x0  }
0x24: {  	s3 =	sadd.s32 $0x88, s3;
	s6 =	simm.s32 @!p1 $0x1082;
	[sflag:s4] =	ssyncset.s32 $0xFFFFF086  }
0x25: {  	[simem:s6], [sflag:s4] =	dma.local [hbm:s3], $0xF7A  }
0x26: {  	[smem:$0x3F9C] =	sst s1;
	(tag) =	ssettag s2;
	_ =	strace s9  }
0x27: {  	s1 =	sld [smem:$0x3FAC]  }
0x28: {  	s2 =	sld [smem:$0x3FAD]  }
0x29: {  	s4 =	sld [smem:$0x3FAF]  }
0x2a: {  	p0 =	seq.s32 s5, $0x0;
	s5 =	sld [smem:$0x3FB0]  }
0x2b: {  	s6 =	sld [smem:$0x3FB1]  }
0x2c: {  	s7 =	sld [smem:$0x3FB2]  }
0x2d: {  	s3 =	simm.s32 $0x108;
	s8 =	sld [smem:$0x3FB3]  }
0x2e: {  	s3 =	simm.s32 @!p0 $0x1082;
	s9 =	sld [smem:$0x3FB4]  }
0x2f: {  	lr =	sadd.s32 s0, s3;
	s0 =	sld [smem:$0x3FAB]  }
0x30: {  	s3 =	sld [smem:$0x3FAE]  }
0x31: {  	[smem:$0x3FB7] =	sst s10  }
0x32: {  	s10 =	sld [smem:$0x3FB5];
	_ =	sdelay $0x3  }
0x33: {  	p0 =	seq.s32 s10, $0x1;
	s10 =	sld [smem:$0x3FB7];
	_ =	sdelay $0x3  }
0x34: {  	[smem:$0x3FB7] =	sst s10  }
0x35: {  	s10 =	sld [smem:$0x3FB6];
	_ =	sdelay $0x3  }
0x36: {  	p1 =	seq.s32 s10, $0x1;
	s10 =	sld [smem:$0x3FB7];
	_ =	sdelay $0x3  }
0x37: {  	[smem:$0x3FB7] =	sst s10  }
0x38: {  	s10 =	sld [smem:$0x3FB8]  }
0x39: {  	_ = 	snop;
	(pc) =	sbr.ind lr, $3  }
0x3a: {  	_ = 	snop  }
0x3b: {  	_ = 	snop  }
0x3c: {  	p2 =	seq.s32 s10, $0x1;
	s10 =	sld [smem:$0x3FB7]  }
0x3d: {  	_ =	shalt  }
0x3e: {  	_ =	shalt  }
0x3f: {  	_ =	shalt  }
0x40: {  	_ =	shalt  }
0x41: {  	_ =	shalt  }
0x42: {  	_ =	shalt  }
0x43: {  	_ =	shalt  }
0x44: {  	_ =	shalt  }
0x45: {  	_ =	shalt  }
0x46: {  	_ =	shalt  }
0x47: {  	_ =	shalt  }
0x48: {  	_ =	shalt  }
0x49: {  	_ =	shalt  }
0x4a: {  	_ =	shalt  }
0x4b: {  	_ =	shalt  }
0x4c: {  	_ =	shalt  }
0x4d: {  	_ =	shalt  }
0x4e: {  	_ =	shalt  }
0x4f: {  	_ =	shalt  }
0x50: {  	_ =	shalt  }
0x51: {  	_ =	shalt  }
0x52: {  	_ =	shalt  }
0x53: {  	_ =	shalt  }
0x54: {  	_ =	shalt  }
0x55: {  	_ =	shalt  }
0x56: {  	_ =	shalt  }
0x57: {  	_ =	shalt  }
0x58: {  	_ =	shalt  }
0x59: {  	_ =	shalt  }
0x5a: {  	_ =	shalt  }
0x5b: {  	_ =	shalt  }
0x5c: {  	_ =	shalt  }
0x5d: {  	_ =	shalt  }
0x5e: {  	_ =	shalt  }
0x5f: {  	_ =	shalt  }
0x60: {  	_ =	shalt  }
0x61: {  	_ =	shalt  }
0x62: {  	_ =	shalt  }
0x63: {  	_ =	shalt  }
0x64: {  	_ =	shalt  }
0x65: {  	_ =	shalt  }
0x66: {  	_ =	shalt  }
0x67: {  	_ =	shalt  }
0x68: {  	_ =	shalt  }
0x69: {  	_ =	shalt  }
0x6a: {  	_ =	shalt  }
0x6b: {  	_ =	shalt  }
0x6c: {  	_ =	shalt  }
0x6d: {  	_ =	shalt  }
0x6e: {  	_ =	shalt  }
0x6f: {  	_ =	shalt  }
0x70: {  	_ =	shalt  }
0x71: {  	_ =	shalt  }
0x72: {  	_ =	shalt  }
0x73: {  	_ =	shalt  }
0x74: {  	_ =	shalt  }
0x75: {  	_ =	shalt  }
0x76: {  	_ =	shalt  }
0x77: {  	_ =	shalt  }
0x78: {  	_ =	shalt  }
0x79: {  	_ =	shalt  }
0x7a: {  	_ =	shalt  }
0x7b: {  	_ =	shalt  }
0x7c: {  	_ =	shalt  }
0x7d: {  	_ =	shalt  }
0x7e: {  	_ =	shalt  }
0x7f: {  	_ =	shalt  }
0x80: {  	_ =	shalt  }
0x81: {  	_ =	shalt  }
0x82: {  	_ =	shalt  }
0x83: {  	_ =	shalt  }
0x84: {  	_ =	shalt  }
0x85: {  	_ =	shalt  }
0x86: {  	_ =	shalt  }
0x87: {  	_ =	shalt  }
.Lfunc_end0:
.L_simem_size_0:
called_computation.1_lowered:
.L_overlay_start_0:
0x88: {  	s2 =	sld [smem:$0x3FD9]  }
0x89: {  	s3 =	sld [smem:$0x3FFE];
	_ =	sdelay $0x1  }
0x8a: {  	s1 =	srdreg.scid  }
0x8b: {  	s0 =	sand.u32 $0x1, s1  }
0x8c: {  	s14 =	sshll.u32 s0, $0xA;
	s2 =	sadd.s32 s3, s2  }
0x8d: {  	s2 =	sadd.s32 s2, s14  }
0x8e: {  	[smem:$0x3FC3] =	sst s2  }
0x8f: {  	_ = 	snop  }
0x90: {  	s2 =	sld [smem:$0x3FD0];
	_ =	sdelay $0x2  }
0x91: {  	s15 =	simm.s32 $0xA;
	s4 =	simm.s32 $0x10  }
0x92: {  	[smem:s4], [sflag:s15] =	dma.local [hbm:s2], $0x1  }
0x93: {  	_ =	swait.eq [sflag:s15], $0x1  }
0x94: {  	[sflag:s15] =	ssyncset.done $0x0  }
0x95: {  	[sflag:s15] =	ssyncadd.s32 $0xFFFFFFFF  }
0x96: {  	s16 =	sld [smem:$0x10];
	(tm) =	ssettm $0x1  }
0x97: {  	s17 =	sld [smem:$0x3FFB];
	_ =	sdelay $0x3  }
0x98: {  	_ =	strace s17  }
0x99: {  	s3 =	sld [smem:$0x3FFC];
	_ =	sdelay $0x3  }
0x9a: {  	_ =	strace s3  }
0x9b: {  	s3 =	sld [smem:$0x3FFD];
	_ =	sdelay $0x3  }
0x9c: {  	_ =	strace s3  }
0x9d: {  	_ =	strace $0x8FFFFFFF  }
0x9e: {  	s18 =	sld [smem:$0x3FDB];
	_ =	sdelay $0x1  }
0x9f: {  	s19 =	simm.s32 $_scs_section_size  }
0xa0: {  	s5 =	simm.s32 $_size__tile_overlayer_lowered;
	s6 =	simm.s32 $_tile_overlayer_lowered  }
0xa1: {  	s22 =	simm.s32 $0x1BFF;
	s21 =	sshll.u32 s6, $0x1;
	s3 =	sadd.s32 s19, s18  }
0xa2: {  	s7 =	simm.s32 $0x0;
	s20 =	sshll.u32 s5, $0x1;
	s5 =	sadd.s32 s21, s3  }
0xa3: {  	[timem:s7], [sflag:s22] =	dma.local [hbm:s5], s20  }
0xa4: {  	_ =	swait.ge [sflag:s22], s20  }
0xa5: {  	s4 =	ssub.s32 $0x0, s20;
	[sflag:s22] =	ssyncset.done $0x0  }
0xa6: {  	[sflag:s22] =	ssyncadd.s32 s4;
	_ =	sdelay $0x1  }
0xa7: {  	s23 =	simm.s32 $0x1B8B  }
0xa8: {  	_ =	swait.ge [sflag:s23], $0x1  }
0xa9: {  	[sflag:s23] =	ssyncset.done $0x0  }
0xaa: {  	s25 =	simm.s32 $0x1B8E;
	s24 =	sld [smem:$0x3FFE];
	[sflag:s23] =	ssyncadd.s32 $0xFFFFFFFF  }
0xab: {  	s26 =	simm.s32 $execute0_lowered;
	[smem:$0x3FD2] =	sst s25  }
0xac: {  	s5 =	sshll.u32 s26, $0x1;
	_ =	strace $0x80000049;
	[dreg:$0x1] =	wrdreg $0xFFFFFFFF  }
0xad: {  	s28 =	simm.s32 $_size_execute0_lowered;
	s3 =	sadd.s32 s3, s5;
	[dreg:$0x0] =	wrdreg $0x0  }
0xae: {  	s5 =	sshll.u32 s28, $0x1;
	[dreg:$0x2] =	wrdreg s3  }
0xaf: {  	[dreg:$0x3] =	wrdreg s5  }
0xb0: {  	[dreg:$0x4] =	wrdreg $0xC0  }
0xb1: {  	_ =	task [dreg:s7], $0x5FFFF  }
0xb2: {  	[dreg:$0x1] =	wrdreg $0xFFFFFFFF  }
0xb3: {  	[dreg:$0x0] =	wrdreg $0x60  }
0xb4: {  	[dreg:$0x2] =	wrdreg s24  }
0xb5: {  	[dreg:$0x3] =	wrdreg s16  }
0xb6: {  	[dreg:$0x4] =	wrdreg $0xB8000  }
0xb7: {  	[dreg:$0x5] =	wrdreg $0x9  }
0xb8: {  	_ =	task.clear_ibuf [dreg:s7], $0x6FFFF;
	_ =	strace $0x90000049  }
0xb9: {  	s29 =	simm.s32 $0x9;
	_ =	strace $0x8000004B  }
0xba: {  	_ =	swait.ge [sflag:s29], $0x1  }
0xbb: {  	[sflag:s29] =	ssyncadd.s32 $0xFFFFFFFF  }
0xbc: {  	_ =	strace $0x9000004B  }
0xbd: {  	_ =	sfence  }
0xbe: {  	s30 =	sld [smem:$0x0];
	_ =	sdelay $0x2  }
0xbf: {  	s31 =	sshll.u32 s1, $0xD;
	s1 =	sshrl.u32 s1, $0x2  }
0xc0: {  	s3 =	sand.u32 $0x4000, s31;
	s1 =	sadd.s32 s1, s30  }
0xc1: {  	s0 =	sor.u32 s3, s0;
	s1 =	sshll.u32 s1, $0x11  }
0xc2: {  	s0 =	sor.u32 s1, s0  }
0xc3: {  	s0 =	sadd.s32 $0x8F2B, s0  }
0xc4: {  	[sflag:s0] =	ssyncadd.remote.s32 $0x1  }
0xc5: {  	_ =	sfence.sel $0xFFFF  }
0xc6: {  	[dreg:$0x0] =	wrdreg $0xFFFFFFFF;
	(pc) =	sbr.abs _section_cstart, $3  }
0xc7: {  	[dreg:$0x1] =	wrdreg $0xFFFFFFFF  }
0xc8: {  	_ =	task.clear_ibuf [dreg:s7], $0x2FFFF;
	_ =	strace $0x9FFFFFFF  }
0xc9: {  	(tm) =	ssettm $0x7FFFFFFF  }
tec
execute0_lowered:
.L_overlay_start_1:
0x0: {  	(tag) =	ssettag $0x1  }
0x1: {  	s0 =	rddreg [dreg:$0x0]  }
0x2: {  	s1 =	rddreg [dreg:$0x1];
	s3 =	srdreg.scid  }
0x3: {  	s13 =	stileid.u32;
	s2 =	rddreg [dreg:$0x2];
	s15 =	simm.s32 $0x7D  }
0x4: {  	s16 =	simm.s32 $0x3800;
	s18 =	simm.s32 $0x7800;
	s21 =	simm.s32 $0x1  }
0x5: {  	s22 =	simm.s32 $0x2;
	s23 =	simm.s32 $0x2780;
	s28 =	simm.s32 $0x0  }
0x6: {  	s5 =	sand.u32 $0x1, s3;
	s4 =	sshll.u32 s13, $0x1;
	s12 =	smul.u32 $0x2700, s13  }
0x7: {  	s3 =	simm.s32 $0x0;
	s9 =	smul.u32 $0x4E000, s13;
	s31 =	sshll.u32 s13, $0x6  }
0x8: {  	s4 =	sor.u32 s5, s4;
	[smem:$0x7FF] =	sst s3;
	s10 =	smul.u32 $0x27100, s5  }
0x9: {  	s7 =	ssub.s32 $0x2, s5;
	s13 =	sor.u32 $0x1C04, s31;
	s4 =	smul.u32 $0x500, s4  }
0xa: {  	_ =	strace $0x8000004A;
	s8 =	sshrl.u32 s7, $0x1;
	s29 =	sshrl.u32 s9, $0x2  }
0xb: {  	s9 =	simm.s32 $0x4;
	s8 =	ssub.s32 s7, s8;
	s14 =	sadd.s32 s29, s2  }
0xc: {  	s30 =	sadd.s32 s1, s10;
	s10 =	simm.s32 $0x2800;
	s6 =	sadd.s32 s4, s0  }
0xd: {  	s4 =	sadd.s32 $0x64600, s0;
	s0 =	sadd.s32 s12, s0;
	s8 =	smax.u32 s8, $0x1  }
0xe: {  	s14 =	sshrl.u32 s14, $0x3;
	s5 =	sadd.s32 $0x5A600, s6;
	s6 =	sadd.s32 $0x2400, s6  }
0xf: {  	s24 =	sadd.s32 s12, s30;
	s7 =	sadd.s32 $0x8B800, s0;
	s11 =	sadd.s32 $0x100, s6  }
.LBB2_1:
0x10: {  	[tilespmem:s3], [sflag:$0x4] =	stream.linear.gather [hbm4b:s5+s3], $0x2800, $0x38;
	[tilespmem:$0x1F080] =	vst v63  }
0x11: {  	_ =	swait.ge [sflag:s9], $0x2800  }
0x12: {  	[sflag:s9] =	ssyncset.done $0x0  }
0x13: {  	[sflag:s9] =	ssyncadd.s32 $0xFFFFD800  }
0x14: {  	[tilespmem:s10], [sflag:$0x4] =	stream.linear.gather [hbm4b:s6+s3], $0x800, $0x38;
	[tilespmem:$0x1F080] =	vst v63  }
0x15: {  	_ =	swait.ge [sflag:s9], $0x800  }
0x16: {  	[sflag:s9] =	ssyncset.done $0x0  }
0x17: {  	s0 =	simm.s32 $0x3000;
	[sflag:s9] =	ssyncadd.s32 $0xFFFFF800  }
0x18: {  	[tilespmem:s0], [sflag:$0x3] =	stream.linear.gather [hbm4b:s11+s3], $0x800, $0x38;
	[tilespmem:$0x1F080] =	vst v63  }
0x19: {  	[spmem:s14], [sflag:s13] =	dma.local [hbm:s7], $0x2800  }
0x1a: {  	_ =	swait.ge [sflag:s9], $0x2800  }
0x1b: {  	[sflag:s9] =	ssyncset.done $0x0  }
0x1c: {  	[sflag:s9] =	ssyncadd.s32 $0xFFFFD800  }
0x1d: {  	[bflag:$0x0] =	sbarrier.arrive $0xFFFF  }
0x1e: {  	[tilespmem:s16], [sflag:$0x1] =	stream.indirect.gather [hbm4b:s4+s15], $0x80, s3, s15, $0xb8;
	[tilespmem:$0x1F080] =	vst v63  }
0x1f: {  	s19 =	simm.s32 $0x80  }
0x20: {  	[tilespmem:s18], [sflag:$0x2] =	stream.indirect.gather [hbm4b:s4+s15], $0x80, s19, s15, $0xb8;
	[tilespmem:$0x1F080] =	vst v63  }
0x21: {  	_ =	swait.ge [sflag:s21], $0x3E80  }
0x22: {  	[sflag:s21] =	ssyncset.done $0x0  }
0x23: {  	[sflag:s21] =	ssyncadd.s32 $0xFFFFC180  }
0x24: {  	[spmem:s2] =	stream.indirect.scatter.add.f32 [tilespmem:s16], [sflag:$0x4], $0x80, s10, s15, $0xb8;
	[tilespmem:$0x1F080] =	vst v63  }
0x25: {  	_ =	swait.ge [sflag:s9], $0x3E80  }
0x26: {  	[sflag:s9] =	ssyncset.done $0x0  }
0x27: {  	s20 =	simm.s32 $0x100;
	[sflag:s9] =	ssyncadd.s32 $0xFFFFC180  }
0x28: {  	[tilespmem:s16], [sflag:$0x1] =	stream.indirect.gather [hbm4b:s4+s15], $0x80, s20, s15, $0xb8;
	[tilespmem:$0x1F080] =	vst v63  }
0x29: {  	_ =	swait.ge [sflag:s22], $0x3E80  }
0x2a: {  	[sflag:s22] =	ssyncset.done $0x0  }
0x2b: {  	s25 =	simm.s32 $0x2880;
	s26 =	sand.u32 $0xE, s22;
	[sflag:s22] =	ssyncadd.s32 $0xFFFFC180  }
0x2c: {  	[spmem:s2] =	stream.indirect.scatter.add.f32 [tilespmem:s18], [sflag:$0x4], $0x80, s25, s15, $0xb8;
	[tilespmem:$0x1F080] =	vst v63  }
0x2d: {  	p0 =	sne.s32 s26, $0x0;
	_ =	swait.ge [sflag:s9], $0x3E80  }
0x2e: {  	p1 =	por @!p0 $0x0, $0x0;
	[sflag:s9] =	ssyncset.done $0x0  }
0x2f: {  	s1 =	simm.s32 @!p0 $0x3;
	p1 =	por p1, p0;
	[sflag:s9] =	ssyncadd.s32 $0xFFFFC180  }
0x30: {  	s12 =	simm.s32 @!p1 $0x800;
	_ =	swait.ge @!p0 [sflag:s1], $0x800  }
0x31: {  	s17 =	sadd.s32 @!p1 $0x100, s6;
	s12 =	sand.u32 @!p1 $0x800, s12;
	[sflag:s1] =	ssyncset.done @!p0 $0x0  }
0x32: {  	[sflag:s1] =	ssyncadd.s32 @!p0 $0xFFFFF800;
	s1 =	sadd.s32 @!p1 $0x2800, s12;
	s12 =	simm.s32 @!p1 $0x0  }
0x33: {  	[tilespmem:s1], [sflag:$0x3] =	stream.linear.gather @!p1 [hbm4b:s17+s12], $0x800, $0x38;
	[tilespmem:$0x1F080] =	vst v63  }
0x34: {  	s19 =	simm.s32 $0x180;
	s17 =	simm.s32 $0x0  }
0x35: {  	[tilespmem:s18], [sflag:$0x2] =	stream.indirect.gather [hbm4b:s4+s15], $0x80, s19, s15, $0xb8;
	[tilespmem:$0x1F080] =	vst v63  }
0x36: {  	s1 =	sand.u32 $0x800, s17;
	_ =	swait.ge [sflag:s21], $0x3E80  }
0x37: {  	s0 =	sshll.u32 s26, $0x7;
	s20 =	sadd.s32 $0x2800, s1;
	[sflag:s21] =	ssyncset.done $0x0  }
0x38: {  	s0 =	sor.u32 s0, s20;
	[sflag:s21] =	ssyncadd.s32 $0xFFFFC180  }
0x39: {  	[spmem:s2] =	stream.indirect.scatter.add.f32 [tilespmem:s16], [sflag:$0x4], $0x80, s0, s15, $0xb8;
	[tilespmem:$0x1F080] =	vst v63  }
0x3a: {  	_ =	swait.ge [sflag:s9], $0x3E80  }
0x3b: {  	s29 =	simm.s32 $0x0;
	s31 =	simm.s32 $0x3;
	[sflag:s9] =	ssyncset.done $0x0  }
0x3c: {  	s26 =	simm.s32 $0x200;
	s25 =	simm.s32 $0x600;
	[sflag:s9] =	ssyncadd.s32 $0xFFFFC180  }
0x3d: {  	[tilespmem:s16], [sflag:$0x1] =	stream.indirect.gather [hbm4b:s4+s15], $0x80, s26, s15, $0xb8;
	[tilespmem:$0x1F080] =	vst v63  }
0x3e: {  	s30 =	sand.u32 $0x800, s29;
	s0 =	sand.u32 $0x1E00, s25;
	_ =	swait.ge [sflag:s22], $0x3E80  }
0x3f: {  	s1 =	simm.s32 $0x4;
	s0 =	sshrl.u32 s0, $0x2;
	[sflag:s22] =	ssyncset.done $0x0  }
0x40: {  	s17 =	sor.u32 s0, s20;
	s0 =	sand.u32 $0xE, s1;
	[sflag:s22] =	ssyncadd.s32 $0xFFFFC180  }
0x41: {  	[spmem:s2] =	stream.indirect.scatter.add.f32 [tilespmem:s18], [sflag:$0x4], $0x80, s17, s15, $0xb8;
	[tilespmem:$0x1F080] =	vst v63  }
0x42: {  	s29 =	simm.s32 $0x400;
	p0 =	sne.s32 s0, $0x0;
	_ =	swait.ge [sflag:s9], $0x3E80  }
0x43: {  	s12 =	simm.s32 $0x0;
	p2 =	por @!p0 $0x0, $0x0;
	[sflag:s9] =	ssyncset.done $0x0  }
.LBB2_2:
0x44: {  	s19 =	sshrl.u32 s31, $0x3  }
0x45: {  	p1 =	por p2, p0;
	[sflag:s9] =	ssyncadd.s32 $0xFFFFC180;
	s17 =	smov.u32 s31  }
0x46: {  	s20 =	simm.s32 @!p0 $0x3;
	s25 =	sshra.s32 s29, $0x2;
	s12 =	sadd.s32 @!p1 $0x1, s12  }
0x47: {  	_ =	swait.ge @!p0 [sflag:s20], $0x800;
	s26 =	sshll.u32 @!p1 s12, $0xB;
	s12 =	sshll.u32 @!p1 s12, $0x8  }
0x48: {  	[sflag:s20] =	ssyncset.done @!p0 $0x0;
	s26 =	sand.u32 @!p1 $0x800, s26;
	s12 =	sadd.s32 @!p1 s6, s12  }
0x49: {  	[sflag:s20] =	ssyncadd.s32 @!p0 $0xFFFFF800;
	s20 =	sadd.s32 @!p1 $0x2800, s26;
	s26 =	simm.s32 @!p1 $0x0  }
0x4a: {  	[tilespmem:s20], [sflag:$0x3] =	stream.linear.gather @!p1 [hbm4b:s12+s26], $0x800, $0x38;
	[tilespmem:$0x1F080] =	vst v63  }
0x4b: {  	s31 =	sadd.s32 $0x1, s31;
	s12 =	sshll.u32 s19, $0xB;
	s20 =	sadd.s32 $0x180, s25  }
0x4c: {  	[tilespmem:s18], [sflag:$0x2] =	stream.indirect.gather [hbm4b:s4+s15], $0x80, s20, s15, $0xb8;
	[tilespmem:$0x1F080] =	vst v63  }
0x4d: {  	p1 =	sne.s32 s31, $0x27;
	s20 =	sand.u32 $0x800, s12;
	_ =	swait.ge [sflag:s21], $0x3E80  }
0x4e: {  	s0 =	sshll.u32 s0, $0x7;
	s26 =	sadd.s32 $0x2800, s30;
	[sflag:s21] =	ssyncset.done $0x0  }
0x4f: {  	s0 =	sor.u32 s0, s26;
	s12 =	smov.u32 s19;
	[sflag:s21] =	ssyncadd.s32 $0xFFFFC180  }
0x50: {  	[spmem:s2] =	stream.indirect.scatter.add.f32 [tilespmem:s16], [sflag:$0x4], $0x80, s0, s15, $0xb8;
	[tilespmem:$0x1F080] =	vst v63  }
0x51: {  	s30 =	smov.u32 s20;
	_ =	swait.ge [sflag:s9], $0x3E80  }
0x52: {  	[sflag:s9] =	ssyncset.done $0x0  }
0x53: {  	s19 =	sadd.s32 $0x200, s25;
	s0 =	sadd.s32 $0x600, s29;
	[sflag:s9] =	ssyncadd.s32 $0xFFFFC180  }
0x54: {  	[tilespmem:s16], [sflag:$0x1] =	stream.indirect.gather [hbm4b:s4+s15], $0x80, s19, s15, $0xb8;
	[tilespmem:$0x1F080] =	vst v63  }
0x55: {  	s1 =	sadd.s32 $0x2, s1;
	s0 =	sand.u32 $0x1E00, s0;
	_ =	swait.ge [sflag:s22], $0x3E80  }
.Ltmp0:
0x56: {  	s19 =	sshrl.u32 s0, $0x2;
	[sflag:s22] =	ssyncset.done $0x0;
	(pc) =	sbr.rel @p1 .LBB2_2-.Ltmp0, $4  }
0x57: {  	s0 =	sand.u32 $0xE, s1;
	s19 =	sor.u32 s19, s26;
	[sflag:s22] =	ssyncadd.s32 $0xFFFFC180  }
0x58: {  	[spmem:s2] =	stream.indirect.scatter.add.f32 [tilespmem:s18], [sflag:$0x4], $0x80, s19, s15, $0xb8;
	[tilespmem:$0x1F080] =	vst v63  }
0x59: {  	p0 =	sne.s32 s0, $0x0;
	_ =	swait.ge [sflag:s9], $0x3E80  }
0x5a: {  	s29 =	sadd.s32 $0x400, s29;
	p2 =	sgt.u32 @!p0 s17, $0x1F;
	[sflag:s9] =	ssyncset.done $0x0  }
0x5b: {  	p1 =	por p2, p0;
	[sflag:s9] =	ssyncadd.s32 $0xFFFFC180  }
0x5c: {  	s1 =	simm.s32 @!p0 $0x3;
	s17 =	sshra.s32 s29, $0x2;
	s12 =	sadd.s32 @!p1 $0x1, s12  }
0x5d: {  	_ =	swait.ge @!p0 [sflag:s1], $0x800;
	s19 =	sshll.u32 @!p1 s12, $0xB;
	s12 =	sshll.u32 @!p1 s12, $0x8  }
0x5e: {  	[sflag:s1] =	ssyncset.done @!p0 $0x0;
	s19 =	sand.u32 @!p1 $0x800, s19;
	s12 =	sadd.s32 @!p1 s6, s12  }
0x5f: {  	[sflag:s1] =	ssyncadd.s32 @!p0 $0xFFFFF800;
	s1 =	sadd.s32 @!p1 $0x2800, s19;
	s19 =	simm.s32 @!p1 $0x0  }
0x60: {  	[tilespmem:s1], [sflag:$0x3] =	stream.linear.gather @!p1 [hbm4b:s12+s19], $0x800, $0x38;
	[tilespmem:$0x1F080] =	vst v63  }
0x61: {  	s20 =	sadd.s32 $0x180, s17  }
0x62: {  	[tilespmem:s18], [sflag:$0x2] =	stream.indirect.gather [hbm4b:s4+s15], $0x80, s20, s15, $0xb8;
	[tilespmem:$0x1F080] =	vst v63  }
0x63: {  	_ =	swait.ge [sflag:s21], $0x3E80  }
0x64: {  	s25 =	sadd.s32 $0x2800, s30;
	s0 =	sshll.u32 s0, $0x7;
	[sflag:s21] =	ssyncset.done $0x0  }
0x65: {  	s0 =	sor.u32 s0, s25;
	[sflag:s21] =	ssyncadd.s32 $0xFFFFC180  }
0x66: {  	[spmem:s2] =	stream.indirect.scatter.add.f32 [tilespmem:s16], [sflag:$0x4], $0x80, s0, s15, $0xb8;
	[tilespmem:$0x1F080] =	vst v63  }
0x67: {  	_ =	swait.ge [sflag:s9], $0x3E80  }
0x68: {  	[sflag:s9] =	ssyncset.done $0x0  }
0x69: {  	s26 =	sadd.s32 $0x600, s29;
	s29 =	sadd.s32 $0x200, s17;
	[sflag:s9] =	ssyncadd.s32 $0xFFFFC180  }
0x6a: {  	[tilespmem:s16], [sflag:$0x1] =	stream.indirect.gather [hbm4b:s4+s15], $0x80, s29, s15, $0xb8;
	[tilespmem:$0x1F080] =	vst v63  }
0x6b: {  	s0 =	sand.u32 $0x1E00, s26;
	_ =	swait.ge [sflag:s22], $0x3E80  }
0x6c: {  	s0 =	sshrl.u32 s0, $0x2;
	[sflag:s22] =	ssyncset.done $0x0  }
0x6d: {  	s0 =	sor.u32 s0, s25;
	[sflag:s22] =	ssyncadd.s32 $0xFFFFC180  }
0x6e: {  	[spmem:s2] =	stream.indirect.scatter.add.f32 [tilespmem:s18], [sflag:$0x4], $0x80, s0, s15, $0xb8;
	[tilespmem:$0x1F080] =	vst v63  }
0x6f: {  	_ =	swait.ge [sflag:s9], $0x3E80  }
0x70: {  	[sflag:s9] =	ssyncset.done $0x0  }
0x71: {  	[sflag:s9] =	ssyncadd.s32 $0xFFFFC180  }
0x72: {  	[tilespmem:s18], [sflag:$0x2] =	stream.indirect.gather [hbm4b:s4+s15], $0x80, s23, s15, $0xb8;
	[tilespmem:$0x1F080] =	vst v63  }
0x73: {  	_ =	swait.ge [sflag:s21], $0x3E80  }
0x74: {  	[sflag:s21] =	ssyncset.done $0x0  }
0x75: {  	s30 =	simm.s32 $0x2F00;
	[sflag:s21] =	ssyncadd.s32 $0xFFFFC180  }
0x76: {  	[spmem:s2] =	stream.indirect.scatter.add.f32 [tilespmem:s16], [sflag:$0x4], $0x80, s30, s15, $0xb8;
	[tilespmem:$0x1F080] =	vst v63  }
0x77: {  	_ =	swait.ge [sflag:s9], $0x3E80  }
0x78: {  	[sflag:s9] =	ssyncset.done $0x0  }
0x79: {  	[sflag:s9] =	ssyncadd.s32 $0xFFFFC180  }
0x7a: {  	[tilespmem:s16], [sflag:$0x1] =	stream.indirect.gather [hbm4b:s4+s15], $0x80, s23, s15, $0xb8;
	[tilespmem:$0x1F080] =	vst v63  }
0x7b: {  	_ =	swait.ge [sflag:s22], $0x3E80  }
0x7c: {  	[sflag:s22] =	ssyncset.done $0x0  }
0x7d: {  	s31 =	simm.s32 $0x2F80;
	[sflag:s22] =	ssyncadd.s32 $0xFFFFC180  }
0x7e: {  	[spmem:s2] =	stream.indirect.scatter.add.f32 [tilespmem:s18], [sflag:$0x4], $0x80, s31, s15, $0xb8;
	[tilespmem:$0x1F080] =	vst v63  }
0x7f: {  	_ =	swait.ge [sflag:s9], $0x3E80  }
0x80: {  	[sflag:s9] =	ssyncset.done $0x0  }
0x81: {  	[sflag:s9] =	ssyncadd.s32 $0xFFFFC180  }
0x82: {  	_ =	swait.ge [sflag:s21], $0x3E80  }
0x83: {  	s28 =	sadd.s32 $0x1, s28;
	[sflag:s21] =	ssyncset.done $0x0  }
0x84: {  	p0 =	sne.s32 s28, s8;
	[sflag:s21] =	ssyncadd.s32 $0xFFFFC180  }
.Ltmp1:
0x85: {  	[bflag:$0x0] =	sbarrier.arrive $0xFFFF;
	(pc) =	sbr.rel @p0 .LBB2_1-.Ltmp1, $4  }
0x86: {  	[hbm:s24], [sflag:s13] =	dma.local [spmem:s14], $0x2800  }
0x87: {  	_ =	swait.ge [sflag:s9], $0x2800  }
0x88: {  	[sflag:s9] =	ssyncset.done $0x0  }
0x89: {  	[sflag:s9] =	ssyncadd.s32 $0xFFFFD800  }
0x8a: {  	_ =	sfence.sel $0x180000  }
0x8b: {  	[bflag:$0x0] =	sbarrier.arrive $0xFFFF  }
0x8c: {  	_ =	strace $0x9000004A  }
0x8d: {  	s0 =	stileid.u32;
	[bflag:$0x2] =	sbarrier.arrive $0xFFFF  }
0x8e: {  	p0 =	sne.s32 s0, $0x0;
	s0 =	rddreg [dreg:$0x3]  }
0x8f: {  	s0 =	sadd.s32 @!p0 $0x100000, s0  }
0x90: {  	[sflag:s0] =	ssyncadd.tile.s32 @!p0 $0x1;
	_ =	shalt  }
.Lfunc_end2:
_tile_overlayer_lowered:
.L_overlay_start_2:
0x91: {  	(tag) =	ssettag $0x2  }
0x92: {  	s0 =	rddreg [dreg:$0x0];
	s2 =	stileid.u32  }
0x93: {  	s1 =	rddreg [dreg:$0x1];
	p0 =	sne.s32 s2, $0x0  }
0x94: {  	s3 =	rddreg [dreg:$0x2];
	[bflag:$0x3] =	sbarrier.arrive $0xFFFF;
	s2 =	simm.s32 @!p0 $0x1C04  }
0x95: {  	[timem:s3], [sflag:s2] =	dma.local @!p0 [hbm:s0], s1  }
0x96: {  	s0 =	simm.s32 @!p0 $0x4  }
0x97: {  	_ =	swait.ge @!p0 [sflag:s0], s1  }
0x98: {  	s1 =	ssub.s32 @!p0 $0x0, s1;
	[sflag:s0] =	ssyncset.done @!p0 $0x0  }
0x99: {  	[sflag:s0] =	ssyncadd.s32 @!p0 s1  }
0x9a: {  	[bflag:$0x3] =	sbarrier.arrive $0xFFFF  }
0x9b: {  	_ =	shalt  }

</sc_bundles>
